<compile_context>
chip_gen: v7x
topology: tpu7x:2x2x1
jax: 0.10.2.dev20260603
libtpu: 0.0.44.dev20260713+nightly
codegen_flags: <defaults>
</compile_context>

<pallas_src>
import functools

import jax
import jax.numpy as jnp
from jax import lax
from jax.experimental import pallas as pl
from jax.experimental.pallas import tpu as pltpu
from jax.experimental.pallas import tpu_sc as plsc

N = 10000
E = 160000
D = 128
S = 2
NS = 16
ROWS_MAIN = 624
ROWS_TAIL = N - NS * ROWS_MAIN
EDGES_PER_TILE = E // NS
CHUNK = 80
NCHUNK = EDGES_PER_TILE // CHUNK
NBUF = 3
ROUNDS = NCHUNK // NBUF

BT = 2000
NB = N // BT


def _sc_body(x2_hbm, x_hbm, sidx_hbm, didx_hbm, out_hbm,
             sidx_v, didx_v, acc_sh,
             r0, r1, r2, g0, g1, g2, s0, s1, s2, d0, d1, d2, isem):
    c = lax.axis_index("c")
    s = lax.axis_index("s")
    rows = (r0, r1, r2)
    gsem = (g0, g1, g2)
    ssem = (s0, s1, s2)
    dsem = (d0, d1, d2)
    row0 = s * ROWS_MAIN
    col0 = pl.multiple_of(c * D, D)

    init_main = pltpu.async_copy(
        x_hbm.at[pl.ds(row0, ROWS_MAIN), pl.ds(col0, D)],
        acc_sh.at[pl.ds(row0, ROWS_MAIN)], isem)

    @pl.when(s == 0)
    def _():
        pltpu.async_copy(
            x_hbm.at[pl.ds(NS * ROWS_MAIN, ROWS_TAIL), pl.ds(col0, D)],
            acc_sh.at[pl.ds(NS * ROWS_MAIN, ROWS_TAIL)], isem)

    pltpu.sync_copy(sidx_hbm.at[c, s], sidx_v)

    def start_gather(j, b):
        off = pl.multiple_of(j * CHUNK, CHUNK)
        pltpu.async_copy(x2_hbm.at[sidx_v.at[pl.ds(off, CHUNK)]], rows[b], gsem[b])

    def wait_gather(b):
        pltpu.make_async_copy(x2_hbm.at[sidx_v.at[pl.ds(0, CHUNK)]], rows[b],
                              gsem[b]).wait()

    def start_didx(j, b):
        pltpu.async_copy(didx_hbm.at[s, pl.ds(j, 1)], didx_v.at[pl.ds(b, 1)],
                         dsem[b])

    def wait_didx(b):
        pltpu.make_async_copy(didx_hbm.at[s, pl.ds(0, 1)],
                              didx_v.at[pl.ds(b, 1)], dsem[b]).wait()

    def start_scatter(b):
        pltpu.async_copy(rows[b], acc_sh.at[didx_v.at[b]], ssem[b], add=True)

    def wait_scatter(b):
        pltpu.make_async_copy(rows[b], acc_sh.at[didx_v.at[0]], ssem[b]).wait()

    for b in range(NBUF):
        start_gather(b, b)
        start_didx(b, b)

    init_main.wait()

    @pl.when(s == 0)
    def _():
        pltpu.make_async_copy(
            x_hbm.at[pl.ds(NS * ROWS_MAIN, ROWS_TAIL), pl.ds(col0, D)],
            acc_sh.at[pl.ds(NS * ROWS_MAIN, ROWS_TAIL)], isem).wait()

    plsc.subcore_barrier()

    def round_body(t, carry):
        j0 = t * NBUF
        for b in range(NBUF):
            wait_gather(b)
            wait_didx(b)
            start_scatter(b)
        for b in range(NBUF):
            wait_scatter(b)
            start_gather(j0 + NBUF + b, b)
            start_didx(j0 + NBUF + b, b)
        return carry

    lax.fori_loop(0, ROUNDS - 1, round_body, 0)

    for b in range(NBUF):
        wait_gather(b)
        wait_didx(b)
        start_scatter(b)
    for b in range(NBUF):
        wait_scatter(b)

    for j in range(ROUNDS * NBUF, NCHUNK):
        start_gather(j, 0)
        start_didx(j, 0)
        wait_gather(0)
        wait_didx(0)
        start_scatter(0)
        wait_scatter(0)

    plsc.subcore_barrier()
    pltpu.sync_copy(acc_sh.at[pl.ds(row0, ROWS_MAIN)],
                    out_hbm.at[pl.ds(c * N + row0, ROWS_MAIN)])

    @pl.when(s == 0)
    def _():
        pltpu.sync_copy(acc_sh.at[pl.ds(NS * ROWS_MAIN, ROWS_TAIL)],
                        out_hbm.at[pl.ds(c * N + NS * ROWS_MAIN, ROWS_TAIL)])


@functools.cache
def _sc_segsum():
    return pl.kernel(
        _sc_body,
        mesh=plsc.VectorSubcoreMesh(core_axis_name="c", subcore_axis_name="s"),
        out_type=jax.ShapeDtypeStruct((S * N, D), jnp.float32),
        scratch_types=[
            pltpu.VMEM((EDGES_PER_TILE,), jnp.int32),
            pltpu.VMEM((NBUF, CHUNK), jnp.int32),
            pltpu.VMEM_SHARED((N, D), jnp.float32),
        ] + [pltpu.VMEM((CHUNK, D), jnp.float32)] * NBUF
          + [pltpu.SemaphoreType.DMA] * (3 * NBUF + 1),
    )


def _mlp_body(xb, g0, g1, w1s, w2s, w1, w2, pv, out, a0s, a1s, ams, st):
    p = pl.program_id(0)
    i = pl.program_id(1)
    off = pl.multiple_of(i * BT, BT)

    @pl.when((p == 0) & (i == 0))
    def _():
        st[...] = jnp.zeros_like(st)

    @pl.when(p == 0)
    def _():
        x0 = xb[:, 0:D]
        x1 = xb[:, D:2 * D]
        e1 = pv[8:9, :]
        e2 = pv[9:10, :]
        h0 = g0[...] + e1 * x0
        h1 = g1[...] + e1 * x1
        hm = 0.5 * (g0[...] + g1[...]) + 0.5 * e2 * (x0 + x1)
        a0 = jnp.dot(h0, w1s[...], preferred_element_type=jnp.float32) + pv[0:1, :]
        a1 = jnp.dot(h1, w1s[...], preferred_element_type=jnp.float32) + pv[0:1, :]
        am = jnp.dot(hm, w1[...], preferred_element_type=jnp.float32) + pv[4:5, :]
        a0s[pl.ds(off, BT), :] = a0
        a1s[pl.ds(off, BT), :] = a1
        ams[pl.ds(off, BT), :] = am
        s_s = jnp.sum(a0, axis=0) + jnp.sum(a1, axis=0)
        q_s = jnp.sum(a0 * a0, axis=0) + jnp.sum(a1 * a1, axis=0)
        s_a = jnp.sum(am, axis=0)
        q_a = jnp.sum(am * am, axis=0)
        z = jnp.zeros_like(s_s)
        st[...] = st[...] + jnp.stack([s_s, q_s, s_a, q_a, z, z, z, z])

    @pl.when(p == 1)
    def _():
        inv_ms = 1.0 / float(S * N)
        inv_ma = 1.0 / float(N)
        mean_s = st[0:1, :] * inv_ms
        var_s = st[1:2, :] * inv_ms - mean_s * mean_s
        scale_s = pv[2:3, :] * lax.rsqrt(var_s + 1e-5)
        shift_s = pv[3:4, :] - mean_s * scale_s
        mean_a = st[2:3, :] * inv_ma
        var_a = st[3:4, :] * inv_ma - mean_a * mean_a
        scale_a = pv[6:7, :] * lax.rsqrt(var_a + 1e-5)
        shift_a = pv[7:8, :] - mean_a * scale_a

        a0 = a0s[pl.ds(off, BT), :]
        a1 = a1s[pl.ds(off, BT), :]
        am = ams[pl.ds(off, BT), :]
        r0 = jnp.maximum(a0 * scale_s + shift_s, 0.0)
        r1 = jnp.maximum(a1 * scale_s + shift_s, 0.0)
        rm = jnp.maximum(am * scale_a + shift_a, 0.0)
        z0 = jnp.dot(r0, w2s[...], preferred_element_type=jnp.float32) + pv[1:2, :]
        z1 = jnp.dot(r1, w2s[...], preferred_element_type=jnp.float32) + pv[1:2, :]
        zm = jnp.dot(rm, w2[...], preferred_element_type=jnp.float32) + pv[5:6, :]
        out[:, 0:D] = z0 + zm
        out[:, D:2 * D] = z1 + zm


def _node_spec(off):
    return pl.BlockSpec((BT, D), lambda i, o=off: (i + o, 0))


def _full_spec(r):
    return pl.BlockSpec((r, D), lambda i: (0, 0))


def kernel(x, edge_index, eps1, W1s, b1s, g1s, be1s, W2s, b2s,
           eps2, W1, b1, g1, be1, W2, b2):
    src = edge_index[0].astype(jnp.int32)
    dst = edge_index[1].astype(jnp.int32)
    x2 = x.reshape(S * N, D)

    srcr = 2 * src.reshape(NS, EDGES_PER_TILE)
    sidx = jnp.stack([srcr, srcr + 1])
    didx = dst.reshape(NS, NCHUNK, CHUNK)

    gs = _sc_segsum()(x2, x, sidx, didx)

    pv = jnp.stack([
        b1s, b2s, g1s, be1s, b1, b2, g1, be1,
        jnp.full((D,), eps1, dtype=jnp.float32),
        jnp.full((D,), eps2, dtype=jnp.float32),
        jnp.zeros((D,), jnp.float32), jnp.zeros((D,), jnp.float32),
        jnp.zeros((D,), jnp.float32), jnp.zeros((D,), jnp.float32),
        jnp.zeros((D,), jnp.float32), jnp.zeros((D,), jnp.float32),
    ])

    def p0_map(p, i):
        return (jnp.where(p == 0, i, 0), 0)

    def p0_map_off(o):
        return lambda p, i: (jnp.where(p == 0, i + o, o), 0)

    out = pl.pallas_call(
        _mlp_body,
        grid=(2, NB),
        in_specs=[
            pl.BlockSpec((BT, S * D), p0_map),
            pl.BlockSpec((BT, D), p0_map_off(0)),
            pl.BlockSpec((BT, D), p0_map_off(NB)),
            pl.BlockSpec((D, D), lambda p, i: (0, 0)),
            pl.BlockSpec((D, D), lambda p, i: (0, 0)),
            pl.BlockSpec((D, D), lambda p, i: (0, 0)),
            pl.BlockSpec((D, D), lambda p, i: (0, 0)),
            pl.BlockSpec((16, D), lambda p, i: (0, 0)),
        ],
        out_specs=pl.BlockSpec((BT, S * D), lambda p, i: (jnp.where(p == 1, i, 0), 0)),
        out_shape=jax.ShapeDtypeStruct((N, S * D), jnp.float32),
        scratch_shapes=[
            pltpu.VMEM((N, D), jnp.float32),
            pltpu.VMEM((N, D), jnp.float32),
            pltpu.VMEM((N, D), jnp.float32),
            pltpu.VMEM((8, D), jnp.float32),
        ],
    )(x, gs, gs, W1s, W2s, W1, W2, pv)

    return out

# --- scband reference (transcript-rebuilt; emitter-appended) ---
"""Pipeline reference for scband-dssginconv-41094247088187 (READ-ONLY COPY).

The authoritative reference and input builder live on the scoring server;
editing this copy changes nothing except your own understanding.
"""

import jax, jax.numpy as jnp
import numpy as np

N = 10000
E = 160000
IN_DIM = 128
EMB_DIM = 128
S = 2
MULT = 1
HID = MULT * EMB_DIM


def setup_inputs(seed: int = 0) -> dict:
    key = jax.random.key(seed)
    ks = jax.random.split(key, 8)
    inp = {}
    inp['x'] = jax.random.normal(ks[0], (N, S * IN_DIM), dtype=jnp.float32)
    inp['edge_index'] = jax.random.randint(ks[1], (2, E), 0, N)
    # shared (siamese) GIN branch params
    inp['eps1'] = jnp.zeros((), dtype=jnp.float32)
    inp['W1s'] = jax.random.normal(ks[2], (IN_DIM, HID), dtype=jnp.float32) * 0.05
    inp['b1s'] = jnp.zeros((HID,), dtype=jnp.float32)
    inp['g1s'] = jnp.ones((HID,), dtype=jnp.float32)
    inp['be1s'] = jnp.zeros((HID,), dtype=jnp.float32)
    inp['W2s'] = jax.random.normal(ks[3], (HID, EMB_DIM), dtype=jnp.float32) * 0.05
    inp['b2s'] = jnp.zeros((EMB_DIM,), dtype=jnp.float32)
    # aggregated GIN branch params
    inp['eps2'] = jnp.zeros((), dtype=jnp.float32)
    inp['W1'] = jax.random.normal(ks[4], (IN_DIM, HID), dtype=jnp.float32) * 0.05
    inp['b1'] = jnp.zeros((HID,), dtype=jnp.float32)
    inp['g1'] = jnp.ones((HID,), dtype=jnp.float32)
    inp['be1'] = jnp.zeros((HID,), dtype=jnp.float32)
    inp['W2'] = jax.random.normal(ks[5], (HID, EMB_DIM), dtype=jnp.float32) * 0.05
    inp['b2'] = jnp.zeros((EMB_DIM,), dtype=jnp.float32)
    return inp


def _bn(h, g, b):
    m = h.mean(axis=0, keepdims=True)
    v = h.var(axis=0, keepdims=True)
    return g * (h - m) / jnp.sqrt(v + 1e-5) + b


def reference(x, edge_index, eps1, W1s, b1s, g1s, be1s, W2s, b2s, eps2, W1, b1, g1, be1, W2, b2):
    src = edge_index[0]
    dst = edge_index[1]
    # in_resh: [N, S*IN_DIM] -> [N, S, IN_DIM]; aggregation='mean' over samples
    xr = x.reshape(N, S, IN_DIM)
    agg_in = xr.mean(axis=1)
    # shared GIN conv on stacked features (GIN: (1+eps)*x + sum_{j in N(i)} x_j)
    neigh = jax.ops.segment_sum(x[src], dst, num_segments=N)
    h = (1.0 + eps1) * x + neigh
    # SharedMLP: same MLP applied per sample
    hs = h.reshape(N * S, IN_DIM)
    hs = hs @ W1s + b1s
    hs = _bn(hs, g1s, be1s)
    hs = jax.nn.relu(hs)
    hs = hs @ W2s + b2s
    siamese = hs.reshape(N, S, EMB_DIM)
    # aggregated GIN conv on mean features
    neigh2 = jax.ops.segment_sum(agg_in[src], dst, num_segments=N)
    h2 = (1.0 + eps2) * agg_in + neigh2
    h2 = h2 @ W1 + b1
    h2 = _bn(h2, g1, be1)
    h2 = jax.nn.relu(h2)
    h2 = h2 @ W2 + b2
    # fedback: siamese + broadcast aggregated output; out_resh back to [N, S*EMB_DIM]
    fedback = siamese + h2[:, None, :]
    return fedback.reshape(N, S * EMB_DIM)

if __name__ == "__main__":
    import jax
    _d = setup_inputs()
    print(jax.jit(kernel)(*tuple(_d.values())))

</pallas_src>

<mosaic_0001>
#map = affine_map<(d0, d1) -> (0, 0)>
#map1 = affine_map<(d0, d1) -> (0, 0, 0)>
module attributes {stable_mosaic.version = 14 : i64} {
  func.func @_sc_body(%arg0: i32, %arg1: i32, %arg2: memref<20000x128xf32, #tpu.memory_space<hbm>>, %arg3: memref<10000x256xf32, #tpu.memory_space<hbm>>, %arg4: memref<2x16x10000xi32, #tpu.memory_space<hbm>>, %arg5: memref<16x125x80xi32, #tpu.memory_space<hbm>>, %arg6: memref<20000x128xf32, #tpu.memory_space<hbm>>, %arg7: memref<10000xi32, #tpu.memory_space<vmem>>, %arg8: memref<3x80xi32, #tpu.memory_space<vmem>>, %arg9: memref<10000x128xf32, #tpu.memory_space<vmem_shared>>, %arg10: memref<80x128xf32, #tpu.memory_space<vmem>>, %arg11: memref<80x128xf32, #tpu.memory_space<vmem>>, %arg12: memref<80x128xf32, #tpu.memory_space<vmem>>, %arg13: memref<!tpu.dma_semaphore, #tpu.memory_space<semaphore_mem>>, %arg14: memref<!tpu.dma_semaphore, #tpu.memory_space<semaphore_mem>>, %arg15: memref<!tpu.dma_semaphore, #tpu.memory_space<semaphore_mem>>, %arg16: memref<!tpu.dma_semaphore, #tpu.memory_space<semaphore_mem>>, %arg17: memref<!tpu.dma_semaphore, #tpu.memory_space<semaphore_mem>>, %arg18: memref<!tpu.dma_semaphore, #tpu.memory_space<semaphore_mem>>, %arg19: memref<!tpu.dma_semaphore, #tpu.memory_space<semaphore_mem>>, %arg20: memref<!tpu.dma_semaphore, #tpu.memory_space<semaphore_mem>>, %arg21: memref<!tpu.dma_semaphore, #tpu.memory_space<semaphore_mem>>, %arg22: memref<!tpu.dma_semaphore, #tpu.memory_space<semaphore_mem>>) attributes {dimension_semantics = [#tpu.dimension_semantics<core_parallel>, #tpu.dimension_semantics<subcore_parallel>], iteration_bounds = array<i64: 2, 16>, scalar_prefetch = 0 : i64, scratch_operands = 16 : i64, tpu.core_type = #tpu.core_type<sc_vector_subcore>, window_params = [{transform_indices = #map}, {transform_indices = #map}, {transform_indices = #map1}, {transform_indices = #map1}, {transform_indices = #map}]} {
    %mul3A = arith.constant 624 : i32
    %mul3A_0 = arith.muli %arg1, %mul3A : i32
    %mul3A_1 = arith.constant 128 : i32
    %mul3A_2 = arith.muli %arg0, %mul3A_1 : i32
    %multiple_of3A = tpu.assume_multiple %mul3A_2, 128 : i32
    %dma_start3A = arith.constant 0 : i32
    %dma_start3A_3 = tpu.memref_slice %arg9[%mul3A_0, %dma_start3A] : memref<10000x128xf32, #tpu.memory_space<vmem_shared>> -> memref<624x128xf32, #tpu.memory_space<vmem_shared>>
    %dma_start3A_4 = tpu.memref_slice %arg3[%mul3A_0, %multiple_of3A] : memref<10000x256xf32, #tpu.memory_space<hbm>> -> memref<624x128xf32, #tpu.memory_space<hbm>>
    tpu.enqueue_dma source(%dma_start3A_4 : memref<624x128xf32, #tpu.memory_space<hbm>>) target(%dma_start3A_3 : memref<624x128xf32, #tpu.memory_space<vmem_shared>>) target_semaphore(%arg22 : memref<!tpu.dma_semaphore, #tpu.memory_space<semaphore_mem>>)
    %eq3A = arith.constant 0 : i32
    %eq3A_5 = arith.cmpi eq, %arg1, %eq3A : i32
    %convert_element_type3A = arith.extui %eq3A_5 : i1 to i32
    %cond3A = arith.constant 0 : i32
    %cond3A_6 = arith.cmpi ne, %convert_element_type3A, %cond3A : i32
    scf.if %cond3A_6 {
      %dma_start3A_292 = arith.constant 9984 : i32
      %dma_start3A_293 = arith.constant 0 : i32
      %dma_start3A_294 = tpu.memref_slice %arg9[%dma_start3A_292, %dma_start3A_293] : memref<10000x128xf32, #tpu.memory_space<vmem_shared>> -> memref<16x128xf32, #tpu.memory_space<vmem_shared>>
      %dma_start3A_295 = arith.constant 9984 : i32
      %dma_start3A_296 = tpu.memref_slice %arg3[%dma_start3A_295, %multiple_of3A] : memref<10000x256xf32, #tpu.memory_space<hbm>> -> memref<16x128xf32, #tpu.memory_space<hbm>>
      tpu.enqueue_dma source(%dma_start3A_296 : memref<16x128xf32, #tpu.memory_space<hbm>>) target(%dma_start3A_294 : memref<16x128xf32, #tpu.memory_space<vmem_shared>>) target_semaphore(%arg22 : memref<!tpu.dma_semaphore, #tpu.memory_space<semaphore_mem>>)
    } else {
    }
    "tpu.region"() ({
      %run_scoped3A = tpu.sem_alloc : memref<!tpu.dma_semaphore, #tpu.memory_space<semaphore_mem>>
      %dma_start3A_292 = arith.constant 0 : i32
      %dma_start3A_293 = tpu.memref_slice %arg4[%arg0, %arg1, %dma_start3A_292] : memref<2x16x10000xi32, #tpu.memory_space<hbm>> -> memref<1x1x10000xi32, #tpu.memory_space<hbm>>
      %dma_start3A_294 = tpu.memref_squeeze %dma_start3A_293 : memref<1x1x10000xi32, #tpu.memory_space<hbm>> -> memref<10000xi32, #tpu.memory_space<hbm>>
      %dma_start3A_295 = arith.constant 0 : i32
      %dma_start3A_296 = tpu.memref_slice %arg4[%arg0, %arg1, %dma_start3A_295] : memref<2x16x10000xi32, #tpu.memory_space<hbm>> -> memref<1x1x10000xi32, #tpu.memory_space<hbm>>
      %dma_start3A_297 = tpu.memref_squeeze %dma_start3A_296 : memref<1x1x10000xi32, #tpu.memory_space<hbm>> -> memref<10000xi32, #tpu.memory_space<hbm>>
      tpu.enqueue_dma source(%dma_start3A_297 : memref<10000xi32, #tpu.memory_space<hbm>>) target(%arg7 : memref<10000xi32, #tpu.memory_space<vmem>>) target_semaphore(%run_scoped3A : memref<!tpu.dma_semaphore, #tpu.memory_space<semaphore_mem>>)
      %dma_wait3A_298 = arith.constant 0 : i32
      %dma_wait3A_299 = tpu.memref_slice %arg4[%arg0, %arg1, %dma_wait3A_298] : memref<2x16x10000xi32, #tpu.memory_space<hbm>> -> memref<1x1x10000xi32, #tpu.memory_space<hbm>>
      %dma_wait3A_300 = tpu.memref_squeeze %dma_wait3A_299 : memref<1x1x10000xi32, #tpu.memory_space<hbm>> -> memref<10000xi32, #tpu.memory_space<hbm>>
      %dma_wait3A_301 = arith.constant 0 : i32
      %dma_wait3A_302 = tpu.memref_slice %arg4[%arg0, %arg1, %dma_wait3A_301] : memref<2x16x10000xi32, #tpu.memory_space<hbm>> -> memref<1x1x10000xi32, #tpu.memory_space<hbm>>
      %dma_wait3A_303 = tpu.memref_squeeze %dma_wait3A_302 : memref<1x1x10000xi32, #tpu.memory_space<hbm>> -> memref<10000xi32, #tpu.memory_space<hbm>>
      tpu.wait_dma2 semaphore(%run_scoped3A : memref<!tpu.dma_semaphore, #tpu.memory_space<semaphore_mem>>) src(%dma_wait3A_303 : memref<10000xi32, #tpu.memory_space<hbm>>) dst(%arg7 : memref<10000xi32, #tpu.memory_space<vmem>>)
      tpu.yield
    }) : () -> ()
    %multiple_of3A_7 = arith.constant 0 : i32
    %multiple_of3A_8 = tpu.assume_multiple %multiple_of3A_7, 80 : i32
    %dma_start3A_9 = tpu.memref_slice %arg7[%multiple_of3A_8] : memref<10000xi32, #tpu.memory_space<vmem>> -> memref<80xi32, #tpu.memory_space<vmem>>
    %dma_start3A_10 = arith.constant 0 : i32
    %dma_start3A_11 = arith.constant 0 : i32
    %dma_start3A_12 = tpu.memref_slice %arg2[%dma_start3A_10, %dma_start3A_11] : memref<20000x128xf32, #tpu.memory_space<hbm>> -> memref<20000x128xf32, #tpu.memory_space<hbm>>
    tpu.enqueue_indirect_dma source(%dma_start3A_12 : memref<20000x128xf32, #tpu.memory_space<hbm>>) target(%arg10 : memref<80x128xf32, #tpu.memory_space<vmem>>) offsets(%dma_start3A_9 : memref<80xi32, #tpu.memory_space<vmem>>) semaphore(%arg13 : memref<!tpu.dma_semaphore, #tpu.memory_space<semaphore_mem>>)
    %dma_start3A_13 = arith.constant 0 : i32
    %dma_start3A_14 = arith.constant 0 : i32
    %dma_start3A_15 = tpu.memref_slice %arg8[%dma_start3A_13, %dma_start3A_14] : memref<3x80xi32, #tpu.memory_space<vmem>> -> memref<1x80xi32, #tpu.memory_space<vmem>>
    %dma_start3A_16 = arith.constant 0 : i32
    %dma_start3A_17 = arith.constant 0 : i32
    %dma_start3A_18 = tpu.memref_slice %arg5[%arg1, %dma_start3A_16, %dma_start3A_17] : memref<16x125x80xi32, #tpu.memory_space<hbm>> -> memref<1x1x80xi32, #tpu.memory_space<hbm>>
    %dma_start3A_19 = tpu.memref_squeeze %dma_start3A_18 : memref<1x1x80xi32, #tpu.memory_space<hbm>> -> memref<1x80xi32, #tpu.memory_space<hbm>>
    %dma_start3A_20 = arith.constant 0 : i32
    %dma_start3A_21 = arith.constant 0 : i32
    %dma_start3A_22 = tpu.memref_slice %arg8[%dma_start3A_20, %dma_start3A_21] : memref<3x80xi32, #tpu.memory_space<vmem>> -> memref<1x80xi32, #tpu.memory_space<vmem>>
    %dma_start3A_23 = arith.constant 0 : i32
    %dma_start3A_24 = arith.constant 0 : i32
    %dma_start3A_25 = tpu.memref_slice %arg5[%arg1, %dma_start3A_23, %dma_start3A_24] : memref<16x125x80xi32, #tpu.memory_space<hbm>> -> memref<1x1x80xi32, #tpu.memory_space<hbm>>
    %dma_start3A_26 = tpu.memref_squeeze %dma_start3A_25 : memref<1x1x80xi32, #tpu.memory_space<hbm>> -> memref<1x80xi32, #tpu.memory_space<hbm>>
    tpu.enqueue_dma source(%dma_start3A_26 : memref<1x80xi32, #tpu.memory_space<hbm>>) target(%dma_start3A_22 : memref<1x80xi32, #tpu.memory_space<vmem>>) target_semaphore(%arg19 : memref<!tpu.dma_semaphore, #tpu.memory_space<semaphore_mem>>)
    %multiple_of3A_27 = arith.constant 80 : i32
    %multiple_of3A_28 = tpu.assume_multiple %multiple_of3A_27, 80 : i32
    %dma_start3A_29 = tpu.memref_slice %arg7[%multiple_of3A_28] : memref<10000xi32, #tpu.memory_space<vmem>> -> memref<80xi32, #tpu.memory_space<vmem>>
    %dma_start3A_30 = arith.constant 0 : i32
    %dma_start3A_31 = arith.constant 0 : i32
    %dma_start3A_32 = tpu.memref_slice %arg2[%dma_start3A_30, %dma_start3A_31] : memref<20000x128xf32, #tpu.memory_space<hbm>> -> memref<20000x128xf32, #tpu.memory_space<hbm>>
    tpu.enqueue_indirect_dma source(%dma_start3A_32 : memref<20000x128xf32, #tpu.memory_space<hbm>>) target(%arg11 : memref<80x128xf32, #tpu.memory_space<vmem>>) offsets(%dma_start3A_29 : memref<80xi32, #tpu.memory_space<vmem>>) semaphore(%arg14 : memref<!tpu.dma_semaphore, #tpu.memory_space<semaphore_mem>>)
    %dma_start3A_33 = arith.constant 1 : i32
    %dma_start3A_34 = arith.constant 0 : i32
    %dma_start3A_35 = tpu.memref_slice %arg8[%dma_start3A_33, %dma_start3A_34] : memref<3x80xi32, #tpu.memory_space<vmem>> -> memref<1x80xi32, #tpu.memory_space<vmem>>
    %dma_start3A_36 = arith.constant 1 : i32
    %dma_start3A_37 = arith.constant 0 : i32
    %dma_start3A_38 = tpu.memref_slice %arg5[%arg1, %dma_start3A_36, %dma_start3A_37] : memref<16x125x80xi32, #tpu.memory_space<hbm>> -> memref<1x1x80xi32, #tpu.memory_space<hbm>>
    %dma_start3A_39 = tpu.memref_squeeze %dma_start3A_38 : memref<1x1x80xi32, #tpu.memory_space<hbm>> -> memref<1x80xi32, #tpu.memory_space<hbm>>
    %dma_start3A_40 = arith.constant 1 : i32
    %dma_start3A_41 = arith.constant 0 : i32
    %dma_start3A_42 = tpu.memref_slice %arg8[%dma_start3A_40, %dma_start3A_41] : memref<3x80xi32, #tpu.memory_space<vmem>> -> memref<1x80xi32, #tpu.memory_space<vmem>>
    %dma_start3A_43 = arith.constant 1 : i32
    %dma_start3A_44 = arith.constant 0 : i32
    %dma_start3A_45 = tpu.memref_slice %arg5[%arg1, %dma_start3A_43, %dma_start3A_44] : memref<16x125x80xi32, #tpu.memory_space<hbm>> -> memref<1x1x80xi32, #tpu.memory_space<hbm>>
    %dma_start3A_46 = tpu.memref_squeeze %dma_start3A_45 : memref<1x1x80xi32, #tpu.memory_space<hbm>> -> memref<1x80xi32, #tpu.memory_space<hbm>>
    tpu.enqueue_dma source(%dma_start3A_46 : memref<1x80xi32, #tpu.memory_space<hbm>>) target(%dma_start3A_42 : memref<1x80xi32, #tpu.memory_space<vmem>>) target_semaphore(%arg20 : memref<!tpu.dma_semaphore, #tpu.memory_space<semaphore_mem>>)
    %multiple_of3A_47 = arith.constant 160 : i32
    %multiple_of3A_48 = tpu.assume_multiple %multiple_of3A_47, 80 : i32
    %dma_start3A_49 = tpu.memref_slice %arg7[%multiple_of3A_48] : memref<10000xi32, #tpu.memory_space<vmem>> -> memref<80xi32, #tpu.memory_space<vmem>>
    %dma_start3A_50 = arith.constant 0 : i32
    %dma_start3A_51 = arith.constant 0 : i32
    %dma_start3A_52 = tpu.memref_slice %arg2[%dma_start3A_50, %dma_start3A_51] : memref<20000x128xf32, #tpu.memory_space<hbm>> -> memref<20000x128xf32, #tpu.memory_space<hbm>>
    tpu.enqueue_indirect_dma source(%dma_start3A_52 : memref<20000x128xf32, #tpu.memory_space<hbm>>) target(%arg12 : memref<80x128xf32, #tpu.memory_space<vmem>>) offsets(%dma_start3A_49 : memref<80xi32, #tpu.memory_space<vmem>>) semaphore(%arg15 : memref<!tpu.dma_semaphore, #tpu.memory_space<semaphore_mem>>)
    %dma_start3A_53 = arith.constant 2 : i32
    %dma_start3A_54 = arith.constant 0 : i32
    %dma_start3A_55 = tpu.memref_slice %arg8[%dma_start3A_53, %dma_start3A_54] : memref<3x80xi32, #tpu.memory_space<vmem>> -> memref<1x80xi32, #tpu.memory_space<vmem>>
    %dma_start3A_56 = arith.constant 2 : i32
    %dma_start3A_57 = arith.constant 0 : i32
    %dma_start3A_58 = tpu.memref_slice %arg5[%arg1, %dma_start3A_56, %dma_start3A_57] : memref<16x125x80xi32, #tpu.memory_space<hbm>> -> memref<1x1x80xi32, #tpu.memory_space<hbm>>
    %dma_start3A_59 = tpu.memref_squeeze %dma_start3A_58 : memref<1x1x80xi32, #tpu.memory_space<hbm>> -> memref<1x80xi32, #tpu.memory_space<hbm>>
    %dma_start3A_60 = arith.constant 2 : i32
    %dma_start3A_61 = arith.constant 0 : i32
    %dma_start3A_62 = tpu.memref_slice %arg8[%dma_start3A_60, %dma_start3A_61] : memref<3x80xi32, #tpu.memory_space<vmem>> -> memref<1x80xi32, #tpu.memory_space<vmem>>
    %dma_start3A_63 = arith.constant 2 : i32
    %dma_start3A_64 = arith.constant 0 : i32
    %dma_start3A_65 = tpu.memref_slice %arg5[%arg1, %dma_start3A_63, %dma_start3A_64] : memref<16x125x80xi32, #tpu.memory_space<hbm>> -> memref<1x1x80xi32, #tpu.memory_space<hbm>>
    %dma_start3A_66 = tpu.memref_squeeze %dma_start3A_65 : memref<1x1x80xi32, #tpu.memory_space<hbm>> -> memref<1x80xi32, #tpu.memory_space<hbm>>
    tpu.enqueue_dma source(%dma_start3A_66 : memref<1x80xi32, #tpu.memory_space<hbm>>) target(%dma_start3A_62 : memref<1x80xi32, #tpu.memory_space<vmem>>) target_semaphore(%arg21 : memref<!tpu.dma_semaphore, #tpu.memory_space<semaphore_mem>>)
    %dma_wait3A = arith.constant 0 : i32
    %dma_wait3A_67 = tpu.memref_slice %arg9[%mul3A_0, %dma_wait3A] : memref<10000x128xf32, #tpu.memory_space<vmem_shared>> -> memref<624x128xf32, #tpu.memory_space<vmem_shared>>
    %dma_wait3A_68 = tpu.memref_slice %arg3[%mul3A_0, %multiple_of3A] : memref<10000x256xf32, #tpu.memory_space<hbm>> -> memref<624x128xf32, #tpu.memory_space<hbm>>
    tpu.wait_dma2 semaphore(%arg22 : memref<!tpu.dma_semaphore, #tpu.memory_space<semaphore_mem>>) src(%dma_wait3A_68 : memref<624x128xf32, #tpu.memory_space<hbm>>) dst(%dma_wait3A_67 : memref<624x128xf32, #tpu.memory_space<vmem_shared>>)
    %eq3A_69 = arith.constant 0 : i32
    %eq3A_70 = arith.cmpi eq, %arg1, %eq3A_69 : i32
    %convert_element_type3A_71 = arith.extui %eq3A_70 : i1 to i32
    %cond3A_72 = arith.constant 0 : i32
    %cond3A_73 = arith.cmpi ne, %convert_element_type3A_71, %cond3A_72 : i32
    scf.if %cond3A_73 {
      %dma_wait3A_292 = arith.constant 9984 : i32
      %dma_wait3A_293 = arith.constant 0 : i32
      %dma_wait3A_294 = tpu.memref_slice %arg9[%dma_wait3A_292, %dma_wait3A_293] : memref<10000x128xf32, #tpu.memory_space<vmem_shared>> -> memref<16x128xf32, #tpu.memory_space<vmem_shared>>
      %dma_wait3A_295 = arith.constant 9984 : i32
      %dma_wait3A_296 = tpu.memref_slice %arg3[%dma_wait3A_295, %multiple_of3A] : memref<10000x256xf32, #tpu.memory_space<hbm>> -> memref<16x128xf32, #tpu.memory_space<hbm>>
      tpu.wait_dma2 semaphore(%arg22 : memref<!tpu.dma_semaphore, #tpu.memory_space<semaphore_mem>>) src(%dma_wait3A_296 : memref<16x128xf32, #tpu.memory_space<hbm>>) dst(%dma_wait3A_294 : memref<16x128xf32, #tpu.memory_space<vmem_shared>>)
    } else {
    }
    %barrier3A = arith.constant 0 : index
    tpu.barrier barrier_id(%barrier3A)
    %scan3A = arith.constant 0 : i32
    %scan3A_74 = arith.constant 0 : i32
    %scan3A_75 = arith.constant 40 : i32
    %scan3A_76 = arith.addi %scan3A_74, %scan3A_75 : i32
    %scan3A_77 = arith.constant 1 : i32
    scf.for %scan3A_292 = %scan3A_74 to %scan3A_76 step %scan3A_77  : i32 {
      %mul3A_293 = arith.constant 3 : i32
      %mul3A_294 = arith.muli %scan3A_292, %mul3A_293 : i32
      %dma_wait3A_295 = arith.constant 0 : i32
      %dma_wait3A_296 = tpu.memref_slice %arg7[%dma_wait3A_295] : memref<10000xi32, #tpu.memory_space<vmem>> -> memref<80xi32, #tpu.memory_space<vmem>>
      %dma_wait3A_297 = arith.constant 0 : i32
      %dma_wait3A_298 = arith.constant 0 : i32
      %dma_wait3A_299 = tpu.memref_slice %arg2[%dma_wait3A_297, %dma_wait3A_298] : memref<20000x128xf32, #tpu.memory_space<hbm>> -> memref<20000x128xf32, #tpu.memory_space<hbm>>
      tpu.wait_indirect_dma semaphore(%arg13 : memref<!tpu.dma_semaphore, #tpu.memory_space<semaphore_mem>>) src(%dma_wait3A_299 : memref<20000x128xf32, #tpu.memory_space<hbm>>) dst(%arg10 : memref<80x128xf32, #tpu.memory_space<vmem>>)
      %dma_wait3A_300 = arith.constant 0 : i32
      %dma_wait3A_301 = arith.constant 0 : i32
      %dma_wait3A_302 = tpu.memref_slice %arg8[%dma_wait3A_300, %dma_wait3A_301] : memref<3x80xi32, #tpu.memory_space<vmem>> -> memref<1x80xi32, #tpu.memory_space<vmem>>
      %dma_wait3A_303 = arith.constant 0 : i32
      %dma_wait3A_304 = arith.constant 0 : i32
      %dma_wait3A_305 = tpu.memref_slice %arg5[%arg1, %dma_wait3A_303, %dma_wait3A_304] : memref<16x125x80xi32, #tpu.memory_space<hbm>> -> memref<1x1x80xi32, #tpu.memory_space<hbm>>
      %dma_wait3A_306 = tpu.memref_squeeze %dma_wait3A_305 : memref<1x1x80xi32, #tpu.memory_space<hbm>> -> memref<1x80xi32, #tpu.memory_space<hbm>>
      %dma_wait3A_307 = arith.constant 0 : i32
      %dma_wait3A_308 = arith.constant 0 : i32
      %dma_wait3A_309 = tpu.memref_slice %arg8[%dma_wait3A_307, %dma_wait3A_308] : memref<3x80xi32, #tpu.memory_space<vmem>> -> memref<1x80xi32, #tpu.memory_space<vmem>>
      %dma_wait3A_310 = arith.constant 0 : i32
      %dma_wait3A_311 = arith.constant 0 : i32
      %dma_wait3A_312 = tpu.memref_slice %arg5[%arg1, %dma_wait3A_310, %dma_wait3A_311] : memref<16x125x80xi32, #tpu.memory_space<hbm>> -> memref<1x1x80xi32, #tpu.memory_space<hbm>>
      %dma_wait3A_313 = tpu.memref_squeeze %dma_wait3A_312 : memref<1x1x80xi32, #tpu.memory_space<hbm>> -> memref<1x80xi32, #tpu.memory_space<hbm>>
      tpu.wait_dma2 semaphore(%arg19 : memref<!tpu.dma_semaphore, #tpu.memory_space<semaphore_mem>>) src(%dma_wait3A_313 : memref<1x80xi32, #tpu.memory_space<hbm>>) dst(%dma_wait3A_309 : memref<1x80xi32, #tpu.memory_space<vmem>>)
      %dma_start3A_314 = arith.constant 0 : i32
      %dma_start3A_315 = arith.constant 0 : i32
      %dma_start3A_316 = tpu.memref_slice %arg8[%dma_start3A_314, %dma_start3A_315] : memref<3x80xi32, #tpu.memory_space<vmem>> -> memref<1x80xi32, #tpu.memory_space<vmem>>
      %dma_start3A_317 = tpu.memref_squeeze %dma_start3A_316 : memref<1x80xi32, #tpu.memory_space<vmem>> -> memref<80xi32, #tpu.memory_space<vmem>>
      %dma_start3A_318 = arith.constant 0 : i32
      %dma_start3A_319 = arith.constant 0 : i32
      %dma_start3A_320 = tpu.memref_slice %arg9[%dma_start3A_318, %dma_start3A_319] : memref<10000x128xf32, #tpu.memory_space<vmem_shared>> -> memref<10000x128xf32, #tpu.memory_space<vmem_shared>>
      tpu.enqueue_indirect_dma source(%arg10 : memref<80x128xf32, #tpu.memory_space<vmem>>) target(%dma_start3A_320 : memref<10000x128xf32, #tpu.memory_space<vmem_shared>>) offsets(%dma_start3A_317 : memref<80xi32, #tpu.memory_space<vmem>>) semaphore(%arg16 : memref<!tpu.dma_semaphore, #tpu.memory_space<semaphore_mem>>) {add = true}
      %dma_wait3A_321 = arith.constant 0 : i32
      %dma_wait3A_322 = tpu.memref_slice %arg7[%dma_wait3A_321] : memref<10000xi32, #tpu.memory_space<vmem>> -> memref<80xi32, #tpu.memory_space<vmem>>
      %dma_wait3A_323 = arith.constant 0 : i32
      %dma_wait3A_324 = arith.constant 0 : i32
      %dma_wait3A_325 = tpu.memref_slice %arg2[%dma_wait3A_323, %dma_wait3A_324] : memref<20000x128xf32, #tpu.memory_space<hbm>> -> memref<20000x128xf32, #tpu.memory_space<hbm>>
      tpu.wait_indirect_dma semaphore(%arg14 : memref<!tpu.dma_semaphore, #tpu.memory_space<semaphore_mem>>) src(%dma_wait3A_325 : memref<20000x128xf32, #tpu.memory_space<hbm>>) dst(%arg11 : memref<80x128xf32, #tpu.memory_space<vmem>>)
      %dma_wait3A_326 = arith.constant 1 : i32
      %dma_wait3A_327 = arith.constant 0 : i32
      %dma_wait3A_328 = tpu.memref_slice %arg8[%dma_wait3A_326, %dma_wait3A_327] : memref<3x80xi32, #tpu.memory_space<vmem>> -> memref<1x80xi32, #tpu.memory_space<vmem>>
      %dma_wait3A_329 = arith.constant 0 : i32
      %dma_wait3A_330 = arith.constant 0 : i32
      %dma_wait3A_331 = tpu.memref_slice %arg5[%arg1, %dma_wait3A_329, %dma_wait3A_330] : memref<16x125x80xi32, #tpu.memory_space<hbm>> -> memref<1x1x80xi32, #tpu.memory_space<hbm>>
      %dma_wait3A_332 = tpu.memref_squeeze %dma_wait3A_331 : memref<1x1x80xi32, #tpu.memory_space<hbm>> -> memref<1x80xi32, #tpu.memory_space<hbm>>
      %dma_wait3A_333 = arith.constant 1 : i32
      %dma_wait3A_334 = arith.constant 0 : i32
      %dma_wait3A_335 = tpu.memref_slice %arg8[%dma_wait3A_333, %dma_wait3A_334] : memref<3x80xi32, #tpu.memory_space<vmem>> -> memref<1x80xi32, #tpu.memory_space<vmem>>
      %dma_wait3A_336 = arith.constant 0 : i32
      %dma_wait3A_337 = arith.constant 0 : i32
      %dma_wait3A_338 = tpu.memref_slice %arg5[%arg1, %dma_wait3A_336, %dma_wait3A_337] : memref<16x125x80xi32, #tpu.memory_space<hbm>> -> memref<1x1x80xi32, #tpu.memory_space<hbm>>
      %dma_wait3A_339 = tpu.memref_squeeze %dma_wait3A_338 : memref<1x1x80xi32, #tpu.memory_space<hbm>> -> memref<1x80xi32, #tpu.memory_space<hbm>>
      tpu.wait_dma2 semaphore(%arg20 : memref<!tpu.dma_semaphore, #tpu.memory_space<semaphore_mem>>) src(%dma_wait3A_339 : memref<1x80xi32, #tpu.memory_space<hbm>>) dst(%dma_wait3A_335 : memref<1x80xi32, #tpu.memory_space<vmem>>)
      %dma_start3A_340 = arith.constant 1 : i32
      %dma_start3A_341 = arith.constant 0 : i32
      %dma_start3A_342 = tpu.memref_slice %arg8[%dma_start3A_340, %dma_start3A_341] : memref<3x80xi32, #tpu.memory_space<vmem>> -> memref<1x80xi32, #tpu.memory_space<vmem>>
      %dma_start3A_343 = tpu.memref_squeeze %dma_start3A_342 : memref<1x80xi32, #tpu.memory_space<vmem>> -> memref<80xi32, #tpu.memory_space<vmem>>
      %dma_start3A_344 = arith.constant 0 : i32
      %dma_start3A_345 = arith.constant 0 : i32
      %dma_start3A_346 = tpu.memref_slice %arg9[%dma_start3A_344, %dma_start3A_345] : memref<10000x128xf32, #tpu.memory_space<vmem_shared>> -> memref<10000x128xf32, #tpu.memory_space<vmem_shared>>
      tpu.enqueue_indirect_dma source(%arg11 : memref<80x128xf32, #tpu.memory_space<vmem>>) target(%dma_start3A_346 : memref<10000x128xf32, #tpu.memory_space<vmem_shared>>) offsets(%dma_start3A_343 : memref<80xi32, #tpu.memory_space<vmem>>) semaphore(%arg17 : memref<!tpu.dma_semaphore, #tpu.memory_space<semaphore_mem>>) {add = true}
      %dma_wait3A_347 = arith.constant 0 : i32
      %dma_wait3A_348 = tpu.memref_slice %arg7[%dma_wait3A_347] : memref<10000xi32, #tpu.memory_space<vmem>> -> memref<80xi32, #tpu.memory_space<vmem>>
      %dma_wait3A_349 = arith.constant 0 : i32
      %dma_wait3A_350 = arith.constant 0 : i32
      %dma_wait3A_351 = tpu.memref_slice %arg2[%dma_wait3A_349, %dma_wait3A_350] : memref<20000x128xf32, #tpu.memory_space<hbm>> -> memref<20000x128xf32, #tpu.memory_space<hbm>>
      tpu.wait_indirect_dma semaphore(%arg15 : memref<!tpu.dma_semaphore, #tpu.memory_space<semaphore_mem>>) src(%dma_wait3A_351 : memref<20000x128xf32, #tpu.memory_space<hbm>>) dst(%arg12 : memref<80x128xf32, #tpu.memory_space<vmem>>)
      %dma_wait3A_352 = arith.constant 2 : i32
      %dma_wait3A_353 = arith.constant 0 : i32
      %dma_wait3A_354 = tpu.memref_slice %arg8[%dma_wait3A_352, %dma_wait3A_353] : memref<3x80xi32, #tpu.memory_space<vmem>> -> memref<1x80xi32, #tpu.memory_space<vmem>>
      %dma_wait3A_355 = arith.constant 0 : i32
      %dma_wait3A_356 = arith.constant 0 : i32
      %dma_wait3A_357 = tpu.memref_slice %arg5[%arg1, %dma_wait3A_355, %dma_wait3A_356] : memref<16x125x80xi32, #tpu.memory_space<hbm>> -> memref<1x1x80xi32, #tpu.memory_space<hbm>>
      %dma_wait3A_358 = tpu.memref_squeeze %dma_wait3A_357 : memref<1x1x80xi32, #tpu.memory_space<hbm>> -> memref<1x80xi32, #tpu.memory_space<hbm>>
      %dma_wait3A_359 = arith.constant 2 : i32
      %dma_wait3A_360 = arith.constant 0 : i32
      %dma_wait3A_361 = tpu.memref_slice %arg8[%dma_wait3A_359, %dma_wait3A_360] : memref<3x80xi32, #tpu.memory_space<vmem>> -> memref<1x80xi32, #tpu.memory_space<vmem>>
      %dma_wait3A_362 = arith.constant 0 : i32
      %dma_wait3A_363 = arith.constant 0 : i32
      %dma_wait3A_364 = tpu.memref_slice %arg5[%arg1, %dma_wait3A_362, %dma_wait3A_363] : memref<16x125x80xi32, #tpu.memory_space<hbm>> -> memref<1x1x80xi32, #tpu.memory_space<hbm>>
      %dma_wait3A_365 = tpu.memref_squeeze %dma_wait3A_364 : memref<1x1x80xi32, #tpu.memory_space<hbm>> -> memref<1x80xi32, #tpu.memory_space<hbm>>
      tpu.wait_dma2 semaphore(%arg21 : memref<!tpu.dma_semaphore, #tpu.memory_space<semaphore_mem>>) src(%dma_wait3A_365 : memref<1x80xi32, #tpu.memory_space<hbm>>) dst(%dma_wait3A_361 : memref<1x80xi32, #tpu.memory_space<vmem>>)
      %dma_start3A_366 = arith.constant 2 : i32
      %dma_start3A_367 = arith.constant 0 : i32
      %dma_start3A_368 = tpu.memref_slice %arg8[%dma_start3A_366, %dma_start3A_367] : memref<3x80xi32, #tpu.memory_space<vmem>> -> memref<1x80xi32, #tpu.memory_space<vmem>>
      %dma_start3A_369 = tpu.memref_squeeze %dma_start3A_368 : memref<1x80xi32, #tpu.memory_space<vmem>> -> memref<80xi32, #tpu.memory_space<vmem>>
      %dma_start3A_370 = arith.constant 0 : i32
      %dma_start3A_371 = arith.constant 0 : i32
      %dma_start3A_372 = tpu.memref_slice %arg9[%dma_start3A_370, %dma_start3A_371] : memref<10000x128xf32, #tpu.memory_space<vmem_shared>> -> memref<10000x128xf32, #tpu.memory_space<vmem_shared>>
      tpu.enqueue_indirect_dma source(%arg12 : memref<80x128xf32, #tpu.memory_space<vmem>>) target(%dma_start3A_372 : memref<10000x128xf32, #tpu.memory_space<vmem_shared>>) offsets(%dma_start3A_369 : memref<80xi32, #tpu.memory_space<vmem>>) semaphore(%arg18 : memref<!tpu.dma_semaphore, #tpu.memory_space<semaphore_mem>>) {add = true}
      %dma_wait3A_373 = arith.constant 0 : i32
      %dma_wait3A_374 = arith.constant 0 : i32
      %dma_wait3A_375 = tpu.memref_slice %arg8[%dma_wait3A_373, %dma_wait3A_374] : memref<3x80xi32, #tpu.memory_space<vmem>> -> memref<1x80xi32, #tpu.memory_space<vmem>>
      %dma_wait3A_376 = tpu.memref_squeeze %dma_wait3A_375 : memref<1x80xi32, #tpu.memory_space<vmem>> -> memref<80xi32, #tpu.memory_space<vmem>>
      %dma_wait3A_377 = arith.constant 0 : i32
      %dma_wait3A_378 = arith.constant 0 : i32
      %dma_wait3A_379 = tpu.memref_slice %arg9[%dma_wait3A_377, %dma_wait3A_378] : memref<10000x128xf32, #tpu.memory_space<vmem_shared>> -> memref<10000x128xf32, #tpu.memory_space<vmem_shared>>
      tpu.wait_indirect_dma semaphore(%arg16 : memref<!tpu.dma_semaphore, #tpu.memory_space<semaphore_mem>>) src(%arg10 : memref<80x128xf32, #tpu.memory_space<vmem>>) dst(%dma_wait3A_379 : memref<10000x128xf32, #tpu.memory_space<vmem_shared>>)
      %add3A_380 = arith.constant 3 : i32
      %add3A_381 = arith.addi %mul3A_294, %add3A_380 : i32
      %add3A_382 = arith.constant 0 : i32
      %add3A_383 = arith.addi %add3A_381, %add3A_382 : i32
      %mul3A_384 = arith.constant 80 : i32
      %mul3A_385 = arith.muli %add3A_383, %mul3A_384 : i32
      %multiple_of3A_386 = tpu.assume_multiple %mul3A_385, 80 : i32
      %dma_start3A_387 = tpu.memref_slice %arg7[%multiple_of3A_386] : memref<10000xi32, #tpu.memory_space<vmem>> -> memref<80xi32, #tpu.memory_space<vmem>>
      %dma_start3A_388 = arith.constant 0 : i32
      %dma_start3A_389 = arith.constant 0 : i32
      %dma_start3A_390 = tpu.memref_slice %arg2[%dma_start3A_388, %dma_start3A_389] : memref<20000x128xf32, #tpu.memory_space<hbm>> -> memref<20000x128xf32, #tpu.memory_space<hbm>>
      tpu.enqueue_indirect_dma source(%dma_start3A_390 : memref<20000x128xf32, #tpu.memory_space<hbm>>) target(%arg10 : memref<80x128xf32, #tpu.memory_space<vmem>>) offsets(%dma_start3A_387 : memref<80xi32, #tpu.memory_space<vmem>>) semaphore(%arg13 : memref<!tpu.dma_semaphore, #tpu.memory_space<semaphore_mem>>)
      %add3A_391 = arith.constant 3 : i32
      %add3A_392 = arith.addi %mul3A_294, %add3A_391 : i32
      %add3A_393 = arith.constant 0 : i32
      %add3A_394 = arith.addi %add3A_392, %add3A_393 : i32
      %dma_start3A_395 = arith.constant 0 : i32
      %dma_start3A_396 = arith.constant 0 : i32
      %dma_start3A_397 = tpu.memref_slice %arg8[%dma_start3A_395, %dma_start3A_396] : memref<3x80xi32, #tpu.memory_space<vmem>> -> memref<1x80xi32, #tpu.memory_space<vmem>>
      %dma_start3A_398 = arith.constant 0 : i32
      %dma_start3A_399 = tpu.memref_slice %arg5[%arg1, %add3A_394, %dma_start3A_398] : memref<16x125x80xi32, #tpu.memory_space<hbm>> -> memref<1x1x80xi32, #tpu.memory_space<hbm>>
      %dma_start3A_400 = tpu.memref_squeeze %dma_start3A_399 : memref<1x1x80xi32, #tpu.memory_space<hbm>> -> memref<1x80xi32, #tpu.memory_space<hbm>>
      %dma_start3A_401 = arith.constant 0 : i32
      %dma_start3A_402 = arith.constant 0 : i32
      %dma_start3A_403 = tpu.memref_slice %arg8[%dma_start3A_401, %dma_start3A_402] : memref<3x80xi32, #tpu.memory_space<vmem>> -> memref<1x80xi32, #tpu.memory_space<vmem>>
      %dma_start3A_404 = arith.constant 0 : i32
      %dma_start3A_405 = tpu.memref_slice %arg5[%arg1, %add3A_394, %dma_start3A_404] : memref<16x125x80xi32, #tpu.memory_space<hbm>> -> memref<1x1x80xi32, #tpu.memory_space<hbm>>
      %dma_start3A_406 = tpu.memref_squeeze %dma_start3A_405 : memref<1x1x80xi32, #tpu.memory_space<hbm>> -> memref<1x80xi32, #tpu.memory_space<hbm>>
      tpu.enqueue_dma source(%dma_start3A_406 : memref<1x80xi32, #tpu.memory_space<hbm>>) target(%dma_start3A_403 : memref<1x80xi32, #tpu.memory_space<vmem>>) target_semaphore(%arg19 : memref<!tpu.dma_semaphore, #tpu.memory_space<semaphore_mem>>)
      %dma_wait3A_407 = arith.constant 0 : i32
      %dma_wait3A_408 = arith.constant 0 : i32
      %dma_wait3A_409 = tpu.memref_slice %arg8[%dma_wait3A_407, %dma_wait3A_408] : memref<3x80xi32, #tpu.memory_space<vmem>> -> memref<1x80xi32, #tpu.memory_space<vmem>>
      %dma_wait3A_410 = tpu.memref_squeeze %dma_wait3A_409 : memref<1x80xi32, #tpu.memory_space<vmem>> -> memref<80xi32, #tpu.memory_space<vmem>>
      %dma_wait3A_411 = arith.constant 0 : i32
      %dma_wait3A_412 = arith.constant 0 : i32
      %dma_wait3A_413 = tpu.memref_slice %arg9[%dma_wait3A_411, %dma_wait3A_412] : memref<10000x128xf32, #tpu.memory_space<vmem_shared>> -> memref<10000x128xf32, #tpu.memory_space<vmem_shared>>
      tpu.wait_indirect_dma semaphore(%arg17 : memref<!tpu.dma_semaphore, #tpu.memory_space<semaphore_mem>>) src(%arg11 : memref<80x128xf32, #tpu.memory_space<vmem>>) dst(%dma_wait3A_413 : memref<10000x128xf32, #tpu.memory_space<vmem_shared>>)
      %add3A_414 = arith.constant 3 : i32
      %add3A_415 = arith.addi %mul3A_294, %add3A_414 : i32
      %add3A_416 = arith.constant 1 : i32
      %add3A_417 = arith.addi %add3A_415, %add3A_416 : i32
      %mul3A_418 = arith.constant 80 : i32
      %mul3A_419 = arith.muli %add3A_417, %mul3A_418 : i32
      %multiple_of3A_420 = tpu.assume_multiple %mul3A_419, 80 : i32
      %dma_start3A_421 = tpu.memref_slice %arg7[%multiple_of3A_420] : memref<10000xi32, #tpu.memory_space<vmem>> -> memref<80xi32, #tpu.memory_space<vmem>>
      %dma_start3A_422 = arith.constant 0 : i32
      %dma_start3A_423 = arith.constant 0 : i32
      %dma_start3A_424 = tpu.memref_slice %arg2[%dma_start3A_422, %dma_start3A_423] : memref<20000x128xf32, #tpu.memory_space<hbm>> -> memref<20000x128xf32, #tpu.memory_space<hbm>>
      tpu.enqueue_indirect_dma source(%dma_start3A_424 : memref<20000x128xf32, #tpu.memory_space<hbm>>) target(%arg11 : memref<80x128xf32, #tpu.memory_space<vmem>>) offsets(%dma_start3A_421 : memref<80xi32, #tpu.memory_space<vmem>>) semaphore(%arg14 : memref<!tpu.dma_semaphore, #tpu.memory_space<semaphore_mem>>)
      %add3A_425 = arith.constant 3 : i32
      %add3A_426 = arith.addi %mul3A_294, %add3A_425 : i32
      %add3A_427 = arith.constant 1 : i32
      %add3A_428 = arith.addi %add3A_426, %add3A_427 : i32
      %dma_start3A_429 = arith.constant 1 : i32
      %dma_start3A_430 = arith.constant 0 : i32
      %dma_start3A_431 = tpu.memref_slice %arg8[%dma_start3A_429, %dma_start3A_430] : memref<3x80xi32, #tpu.memory_space<vmem>> -> memref<1x80xi32, #tpu.memory_space<vmem>>
      %dma_start3A_432 = arith.constant 0 : i32
      %dma_start3A_433 = tpu.memref_slice %arg5[%arg1, %add3A_428, %dma_start3A_432] : memref<16x125x80xi32, #tpu.memory_space<hbm>> -> memref<1x1x80xi32, #tpu.memory_space<hbm>>
      %dma_start3A_434 = tpu.memref_squeeze %dma_start3A_433 : memref<1x1x80xi32, #tpu.memory_space<hbm>> -> memref<1x80xi32, #tpu.memory_space<hbm>>
      %dma_start3A_435 = arith.constant 1 : i32
      %dma_start3A_436 = arith.constant 0 : i32
      %dma_start3A_437 = tpu.memref_slice %arg8[%dma_start3A_435, %dma_start3A_436] : memref<3x80xi32, #tpu.memory_space<vmem>> -> memref<1x80xi32, #tpu.memory_space<vmem>>
      %dma_start3A_438 = arith.constant 0 : i32
      %dma_start3A_439 = tpu.memref_slice %arg5[%arg1, %add3A_428, %dma_start3A_438] : memref<16x125x80xi32, #tpu.memory_space<hbm>> -> memref<1x1x80xi32, #tpu.memory_space<hbm>>
      %dma_start3A_440 = tpu.memref_squeeze %dma_start3A_439 : memref<1x1x80xi32, #tpu.memory_space<hbm>> -> memref<1x80xi32, #tpu.memory_space<hbm>>
      tpu.enqueue_dma source(%dma_start3A_440 : memref<1x80xi32, #tpu.memory_space<hbm>>) target(%dma_start3A_437 : memref<1x80xi32, #tpu.memory_space<vmem>>) target_semaphore(%arg20 : memref<!tpu.dma_semaphore, #tpu.memory_space<semaphore_mem>>)
      %dma_wait3A_441 = arith.constant 0 : i32
      %dma_wait3A_442 = arith.constant 0 : i32
      %dma_wait3A_443 = tpu.memref_slice %arg8[%dma_wait3A_441, %dma_wait3A_442] : memref<3x80xi32, #tpu.memory_space<vmem>> -> memref<1x80xi32, #tpu.memory_space<vmem>>
      %dma_wait3A_444 = tpu.memref_squeeze %dma_wait3A_443 : memref<1x80xi32, #tpu.memory_space<vmem>> -> memref<80xi32, #tpu.memory_space<vmem>>
      %dma_wait3A_445 = arith.constant 0 : i32
      %dma_wait3A_446 = arith.constant 0 : i32
      %dma_wait3A_447 = tpu.memref_slice %arg9[%dma_wait3A_445, %dma_wait3A_446] : memref<10000x128xf32, #tpu.memory_space<vmem_shared>> -> memref<10000x128xf32, #tpu.memory_space<vmem_shared>>
      tpu.wait_indirect_dma semaphore(%arg18 : memref<!tpu.dma_semaphore, #tpu.memory_space<semaphore_mem>>) src(%arg12 : memref<80x128xf32, #tpu.memory_space<vmem>>) dst(%dma_wait3A_447 : memref<10000x128xf32, #tpu.memory_space<vmem_shared>>)
      %add3A_448 = arith.constant 3 : i32
      %add3A_449 = arith.addi %mul3A_294, %add3A_448 : i32
      %add3A_450 = arith.constant 2 : i32
      %add3A_451 = arith.addi %add3A_449, %add3A_450 : i32
      %mul3A_452 = arith.constant 80 : i32
      %mul3A_453 = arith.muli %add3A_451, %mul3A_452 : i32
      %multiple_of3A_454 = tpu.assume_multiple %mul3A_453, 80 : i32
      %dma_start3A_455 = tpu.memref_slice %arg7[%multiple_of3A_454] : memref<10000xi32, #tpu.memory_space<vmem>> -> memref<80xi32, #tpu.memory_space<vmem>>
      %dma_start3A_456 = arith.constant 0 : i32
      %dma_start3A_457 = arith.constant 0 : i32
      %dma_start3A_458 = tpu.memref_slice %arg2[%dma_start3A_456, %dma_start3A_457] : memref<20000x128xf32, #tpu.memory_space<hbm>> -> memref<20000x128xf32, #tpu.memory_space<hbm>>
      tpu.enqueue_indirect_dma source(%dma_start3A_458 : memref<20000x128xf32, #tpu.memory_space<hbm>>) target(%arg12 : memref<80x128xf32, #tpu.memory_space<vmem>>) offsets(%dma_start3A_455 : memref<80xi32, #tpu.memory_space<vmem>>) semaphore(%arg15 : memref<!tpu.dma_semaphore, #tpu.memory_space<semaphore_mem>>)
      %add3A_459 = arith.constant 3 : i32
      %add3A_460 = arith.addi %mul3A_294, %add3A_459 : i32
      %add3A_461 = arith.constant 2 : i32
      %add3A_462 = arith.addi %add3A_460, %add3A_461 : i32
      %dma_start3A_463 = arith.constant 2 : i32
      %dma_start3A_464 = arith.constant 0 : i32
      %dma_start3A_465 = tpu.memref_slice %arg8[%dma_start3A_463, %dma_start3A_464] : memref<3x80xi32, #tpu.memory_space<vmem>> -> memref<1x80xi32, #tpu.memory_space<vmem>>
      %dma_start3A_466 = arith.constant 0 : i32
      %dma_start3A_467 = tpu.memref_slice %arg5[%arg1, %add3A_462, %dma_start3A_466] : memref<16x125x80xi32, #tpu.memory_space<hbm>> -> memref<1x1x80xi32, #tpu.memory_space<hbm>>
      %dma_start3A_468 = tpu.memref_squeeze %dma_start3A_467 : memref<1x1x80xi32, #tpu.memory_space<hbm>> -> memref<1x80xi32, #tpu.memory_space<hbm>>
      %dma_start3A_469 = arith.constant 2 : i32
      %dma_start3A_470 = arith.constant 0 : i32
      %dma_start3A_471 = tpu.memref_slice %arg8[%dma_start3A_469, %dma_start3A_470] : memref<3x80xi32, #tpu.memory_space<vmem>> -> memref<1x80xi32, #tpu.memory_space<vmem>>
      %dma_start3A_472 = arith.constant 0 : i32
      %dma_start3A_473 = tpu.memref_slice %arg5[%arg1, %add3A_462, %dma_start3A_472] : memref<16x125x80xi32, #tpu.memory_space<hbm>> -> memref<1x1x80xi32, #tpu.memory_space<hbm>>
      %dma_start3A_474 = tpu.memref_squeeze %dma_start3A_473 : memref<1x1x80xi32, #tpu.memory_space<hbm>> -> memref<1x80xi32, #tpu.memory_space<hbm>>
      tpu.enqueue_dma source(%dma_start3A_474 : memref<1x80xi32, #tpu.memory_space<hbm>>) target(%dma_start3A_471 : memref<1x80xi32, #tpu.memory_space<vmem>>) target_semaphore(%arg21 : memref<!tpu.dma_semaphore, #tpu.memory_space<semaphore_mem>>)
    }
    %scan3A_78 = arith.constant 40 : i32
    %dma_wait3A_79 = arith.constant 0 : i32
    %dma_wait3A_80 = tpu.memref_slice %arg7[%dma_wait3A_79] : memref<10000xi32, #tpu.memory_space<vmem>> -> memref<80xi32, #tpu.memory_space<vmem>>
    %dma_wait3A_81 = arith.constant 0 : i32
    %dma_wait3A_82 = arith.constant 0 : i32
    %dma_wait3A_83 = tpu.memref_slice %arg2[%dma_wait3A_81, %dma_wait3A_82] : memref<20000x128xf32, #tpu.memory_space<hbm>> -> memref<20000x128xf32, #tpu.memory_space<hbm>>
    tpu.wait_indirect_dma semaphore(%arg13 : memref<!tpu.dma_semaphore, #tpu.memory_space<semaphore_mem>>) src(%dma_wait3A_83 : memref<20000x128xf32, #tpu.memory_space<hbm>>) dst(%arg10 : memref<80x128xf32, #tpu.memory_space<vmem>>)
    %dma_wait3A_84 = arith.constant 0 : i32
    %dma_wait3A_85 = arith.constant 0 : i32
    %dma_wait3A_86 = tpu.memref_slice %arg8[%dma_wait3A_84, %dma_wait3A_85] : memref<3x80xi32, #tpu.memory_space<vmem>> -> memref<1x80xi32, #tpu.memory_space<vmem>>
    %dma_wait3A_87 = arith.constant 0 : i32
    %dma_wait3A_88 = arith.constant 0 : i32
    %dma_wait3A_89 = tpu.memref_slice %arg5[%arg1, %dma_wait3A_87, %dma_wait3A_88] : memref<16x125x80xi32, #tpu.memory_space<hbm>> -> memref<1x1x80xi32, #tpu.memory_space<hbm>>
    %dma_wait3A_90 = tpu.memref_squeeze %dma_wait3A_89 : memref<1x1x80xi32, #tpu.memory_space<hbm>> -> memref<1x80xi32, #tpu.memory_space<hbm>>
    %dma_wait3A_91 = arith.constant 0 : i32
    %dma_wait3A_92 = arith.constant 0 : i32
    %dma_wait3A_93 = tpu.memref_slice %arg8[%dma_wait3A_91, %dma_wait3A_92] : memref<3x80xi32, #tpu.memory_space<vmem>> -> memref<1x80xi32, #tpu.memory_space<vmem>>
    %dma_wait3A_94 = arith.constant 0 : i32
    %dma_wait3A_95 = arith.constant 0 : i32
    %dma_wait3A_96 = tpu.memref_slice %arg5[%arg1, %dma_wait3A_94, %dma_wait3A_95] : memref<16x125x80xi32, #tpu.memory_space<hbm>> -> memref<1x1x80xi32, #tpu.memory_space<hbm>>
    %dma_wait3A_97 = tpu.memref_squeeze %dma_wait3A_96 : memref<1x1x80xi32, #tpu.memory_space<hbm>> -> memref<1x80xi32, #tpu.memory_space<hbm>>
    tpu.wait_dma2 semaphore(%arg19 : memref<!tpu.dma_semaphore, #tpu.memory_space<semaphore_mem>>) src(%dma_wait3A_97 : memref<1x80xi32, #tpu.memory_space<hbm>>) dst(%dma_wait3A_93 : memref<1x80xi32, #tpu.memory_space<vmem>>)
    %dma_start3A_98 = arith.constant 0 : i32
    %dma_start3A_99 = arith.constant 0 : i32
    %dma_start3A_100 = tpu.memref_slice %arg8[%dma_start3A_98, %dma_start3A_99] : memref<3x80xi32, #tpu.memory_space<vmem>> -> memref<1x80xi32, #tpu.memory_space<vmem>>
    %dma_start3A_101 = tpu.memref_squeeze %dma_start3A_100 : memref<1x80xi32, #tpu.memory_space<vmem>> -> memref<80xi32, #tpu.memory_space<vmem>>
    %dma_start3A_102 = arith.constant 0 : i32
    %dma_start3A_103 = arith.constant 0 : i32
    %dma_start3A_104 = tpu.memref_slice %arg9[%dma_start3A_102, %dma_start3A_103] : memref<10000x128xf32, #tpu.memory_space<vmem_shared>> -> memref<10000x128xf32, #tpu.memory_space<vmem_shared>>
    tpu.enqueue_indirect_dma source(%arg10 : memref<80x128xf32, #tpu.memory_space<vmem>>) target(%dma_start3A_104 : memref<10000x128xf32, #tpu.memory_space<vmem_shared>>) offsets(%dma_start3A_101 : memref<80xi32, #tpu.memory_space<vmem>>) semaphore(%arg16 : memref<!tpu.dma_semaphore, #tpu.memory_space<semaphore_mem>>) {add = true}
    %dma_wait3A_105 = arith.constant 0 : i32
    %dma_wait3A_106 = tpu.memref_slice %arg7[%dma_wait3A_105] : memref<10000xi32, #tpu.memory_space<vmem>> -> memref<80xi32, #tpu.memory_space<vmem>>
    %dma_wait3A_107 = arith.constant 0 : i32
    %dma_wait3A_108 = arith.constant 0 : i32
    %dma_wait3A_109 = tpu.memref_slice %arg2[%dma_wait3A_107, %dma_wait3A_108] : memref<20000x128xf32, #tpu.memory_space<hbm>> -> memref<20000x128xf32, #tpu.memory_space<hbm>>
    tpu.wait_indirect_dma semaphore(%arg14 : memref<!tpu.dma_semaphore, #tpu.memory_space<semaphore_mem>>) src(%dma_wait3A_109 : memref<20000x128xf32, #tpu.memory_space<hbm>>) dst(%arg11 : memref<80x128xf32, #tpu.memory_space<vmem>>)
    %dma_wait3A_110 = arith.constant 1 : i32
    %dma_wait3A_111 = arith.constant 0 : i32
    %dma_wait3A_112 = tpu.memref_slice %arg8[%dma_wait3A_110, %dma_wait3A_111] : memref<3x80xi32, #tpu.memory_space<vmem>> -> memref<1x80xi32, #tpu.memory_space<vmem>>
    %dma_wait3A_113 = arith.constant 0 : i32
    %dma_wait3A_114 = arith.constant 0 : i32
    %dma_wait3A_115 = tpu.memref_slice %arg5[%arg1, %dma_wait3A_113, %dma_wait3A_114] : memref<16x125x80xi32, #tpu.memory_space<hbm>> -> memref<1x1x80xi32, #tpu.memory_space<hbm>>
    %dma_wait3A_116 = tpu.memref_squeeze %dma_wait3A_115 : memref<1x1x80xi32, #tpu.memory_space<hbm>> -> memref<1x80xi32, #tpu.memory_space<hbm>>
    %dma_wait3A_117 = arith.constant 1 : i32
    %dma_wait3A_118 = arith.constant 0 : i32
    %dma_wait3A_119 = tpu.memref_slice %arg8[%dma_wait3A_117, %dma_wait3A_118] : memref<3x80xi32, #tpu.memory_space<vmem>> -> memref<1x80xi32, #tpu.memory_space<vmem>>
    %dma_wait3A_120 = arith.constant 0 : i32
    %dma_wait3A_121 = arith.constant 0 : i32
    %dma_wait3A_122 = tpu.memref_slice %arg5[%arg1, %dma_wait3A_120, %dma_wait3A_121] : memref<16x125x80xi32, #tpu.memory_space<hbm>> -> memref<1x1x80xi32, #tpu.memory_space<hbm>>
    %dma_wait3A_123 = tpu.memref_squeeze %dma_wait3A_122 : memref<1x1x80xi32, #tpu.memory_space<hbm>> -> memref<1x80xi32, #tpu.memory_space<hbm>>
    tpu.wait_dma2 semaphore(%arg20 : memref<!tpu.dma_semaphore, #tpu.memory_space<semaphore_mem>>) src(%dma_wait3A_123 : memref<1x80xi32, #tpu.memory_space<hbm>>) dst(%dma_wait3A_119 : memref<1x80xi32, #tpu.memory_space<vmem>>)
    %dma_start3A_124 = arith.constant 1 : i32
    %dma_start3A_125 = arith.constant 0 : i32
    %dma_start3A_126 = tpu.memref_slice %arg8[%dma_start3A_124, %dma_start3A_125] : memref<3x80xi32, #tpu.memory_space<vmem>> -> memref<1x80xi32, #tpu.memory_space<vmem>>
    %dma_start3A_127 = tpu.memref_squeeze %dma_start3A_126 : memref<1x80xi32, #tpu.memory_space<vmem>> -> memref<80xi32, #tpu.memory_space<vmem>>
    %dma_start3A_128 = arith.constant 0 : i32
    %dma_start3A_129 = arith.constant 0 : i32
    %dma_start3A_130 = tpu.memref_slice %arg9[%dma_start3A_128, %dma_start3A_129] : memref<10000x128xf32, #tpu.memory_space<vmem_shared>> -> memref<10000x128xf32, #tpu.memory_space<vmem_shared>>
    tpu.enqueue_indirect_dma source(%arg11 : memref<80x128xf32, #tpu.memory_space<vmem>>) target(%dma_start3A_130 : memref<10000x128xf32, #tpu.memory_space<vmem_shared>>) offsets(%dma_start3A_127 : memref<80xi32, #tpu.memory_space<vmem>>) semaphore(%arg17 : memref<!tpu.dma_semaphore, #tpu.memory_space<semaphore_mem>>) {add = true}
    %dma_wait3A_131 = arith.constant 0 : i32
    %dma_wait3A_132 = tpu.memref_slice %arg7[%dma_wait3A_131] : memref<10000xi32, #tpu.memory_space<vmem>> -> memref<80xi32, #tpu.memory_space<vmem>>
    %dma_wait3A_133 = arith.constant 0 : i32
    %dma_wait3A_134 = arith.constant 0 : i32
    %dma_wait3A_135 = tpu.memref_slice %arg2[%dma_wait3A_133, %dma_wait3A_134] : memref<20000x128xf32, #tpu.memory_space<hbm>> -> memref<20000x128xf32, #tpu.memory_space<hbm>>
    tpu.wait_indirect_dma semaphore(%arg15 : memref<!tpu.dma_semaphore, #tpu.memory_space<semaphore_mem>>) src(%dma_wait3A_135 : memref<20000x128xf32, #tpu.memory_space<hbm>>) dst(%arg12 : memref<80x128xf32, #tpu.memory_space<vmem>>)
    %dma_wait3A_136 = arith.constant 2 : i32
    %dma_wait3A_137 = arith.constant 0 : i32
    %dma_wait3A_138 = tpu.memref_slice %arg8[%dma_wait3A_136, %dma_wait3A_137] : memref<3x80xi32, #tpu.memory_space<vmem>> -> memref<1x80xi32, #tpu.memory_space<vmem>>
    %dma_wait3A_139 = arith.constant 0 : i32
    %dma_wait3A_140 = arith.constant 0 : i32
    %dma_wait3A_141 = tpu.memref_slice %arg5[%arg1, %dma_wait3A_139, %dma_wait3A_140] : memref<16x125x80xi32, #tpu.memory_space<hbm>> -> memref<1x1x80xi32, #tpu.memory_space<hbm>>
    %dma_wait3A_142 = tpu.memref_squeeze %dma_wait3A_141 : memref<1x1x80xi32, #tpu.memory_space<hbm>> -> memref<1x80xi32, #tpu.memory_space<hbm>>
    %dma_wait3A_143 = arith.constant 2 : i32
    %dma_wait3A_144 = arith.constant 0 : i32
    %dma_wait3A_145 = tpu.memref_slice %arg8[%dma_wait3A_143, %dma_wait3A_144] : memref<3x80xi32, #tpu.memory_space<vmem>> -> memref<1x80xi32, #tpu.memory_space<vmem>>
    %dma_wait3A_146 = arith.constant 0 : i32
    %dma_wait3A_147 = arith.constant 0 : i32
    %dma_wait3A_148 = tpu.memref_slice %arg5[%arg1, %dma_wait3A_146, %dma_wait3A_147] : memref<16x125x80xi32, #tpu.memory_space<hbm>> -> memref<1x1x80xi32, #tpu.memory_space<hbm>>
    %dma_wait3A_149 = tpu.memref_squeeze %dma_wait3A_148 : memref<1x1x80xi32, #tpu.memory_space<hbm>> -> memref<1x80xi32, #tpu.memory_space<hbm>>
    tpu.wait_dma2 semaphore(%arg21 : memref<!tpu.dma_semaphore, #tpu.memory_space<semaphore_mem>>) src(%dma_wait3A_149 : memref<1x80xi32, #tpu.memory_space<hbm>>) dst(%dma_wait3A_145 : memref<1x80xi32, #tpu.memory_space<vmem>>)
    %dma_start3A_150 = arith.constant 2 : i32
    %dma_start3A_151 = arith.constant 0 : i32
    %dma_start3A_152 = tpu.memref_slice %arg8[%dma_start3A_150, %dma_start3A_151] : memref<3x80xi32, #tpu.memory_space<vmem>> -> memref<1x80xi32, #tpu.memory_space<vmem>>
    %dma_start3A_153 = tpu.memref_squeeze %dma_start3A_152 : memref<1x80xi32, #tpu.memory_space<vmem>> -> memref<80xi32, #tpu.memory_space<vmem>>
    %dma_start3A_154 = arith.constant 0 : i32
    %dma_start3A_155 = arith.constant 0 : i32
    %dma_start3A_156 = tpu.memref_slice %arg9[%dma_start3A_154, %dma_start3A_155] : memref<10000x128xf32, #tpu.memory_space<vmem_shared>> -> memref<10000x128xf32, #tpu.memory_space<vmem_shared>>
    tpu.enqueue_indirect_dma source(%arg12 : memref<80x128xf32, #tpu.memory_space<vmem>>) target(%dma_start3A_156 : memref<10000x128xf32, #tpu.memory_space<vmem_shared>>) offsets(%dma_start3A_153 : memref<80xi32, #tpu.memory_space<vmem>>) semaphore(%arg18 : memref<!tpu.dma_semaphore, #tpu.memory_space<semaphore_mem>>) {add = true}
    %dma_wait3A_157 = arith.constant 0 : i32
    %dma_wait3A_158 = arith.constant 0 : i32
    %dma_wait3A_159 = tpu.memref_slice %arg8[%dma_wait3A_157, %dma_wait3A_158] : memref<3x80xi32, #tpu.memory_space<vmem>> -> memref<1x80xi32, #tpu.memory_space<vmem>>
    %dma_wait3A_160 = tpu.memref_squeeze %dma_wait3A_159 : memref<1x80xi32, #tpu.memory_space<vmem>> -> memref<80xi32, #tpu.memory_space<vmem>>
    %dma_wait3A_161 = arith.constant 0 : i32
    %dma_wait3A_162 = arith.constant 0 : i32
    %dma_wait3A_163 = tpu.memref_slice %arg9[%dma_wait3A_161, %dma_wait3A_162] : memref<10000x128xf32, #tpu.memory_space<vmem_shared>> -> memref<10000x128xf32, #tpu.memory_space<vmem_shared>>
    tpu.wait_indirect_dma semaphore(%arg16 : memref<!tpu.dma_semaphore, #tpu.memory_space<semaphore_mem>>) src(%arg10 : memref<80x128xf32, #tpu.memory_space<vmem>>) dst(%dma_wait3A_163 : memref<10000x128xf32, #tpu.memory_space<vmem_shared>>)
    %dma_wait3A_164 = arith.constant 0 : i32
    %dma_wait3A_165 = arith.constant 0 : i32
    %dma_wait3A_166 = tpu.memref_slice %arg8[%dma_wait3A_164, %dma_wait3A_165] : memref<3x80xi32, #tpu.memory_space<vmem>> -> memref<1x80xi32, #tpu.memory_space<vmem>>
    %dma_wait3A_167 = tpu.memref_squeeze %dma_wait3A_166 : memref<1x80xi32, #tpu.memory_space<vmem>> -> memref<80xi32, #tpu.memory_space<vmem>>
    %dma_wait3A_168 = arith.constant 0 : i32
    %dma_wait3A_169 = arith.constant 0 : i32
    %dma_wait3A_170 = tpu.memref_slice %arg9[%dma_wait3A_168, %dma_wait3A_169] : memref<10000x128xf32, #tpu.memory_space<vmem_shared>> -> memref<10000x128xf32, #tpu.memory_space<vmem_shared>>
    tpu.wait_indirect_dma semaphore(%arg17 : memref<!tpu.dma_semaphore, #tpu.memory_space<semaphore_mem>>) src(%arg11 : memref<80x128xf32, #tpu.memory_space<vmem>>) dst(%dma_wait3A_170 : memref<10000x128xf32, #tpu.memory_space<vmem_shared>>)
    %dma_wait3A_171 = arith.constant 0 : i32
    %dma_wait3A_172 = arith.constant 0 : i32
    %dma_wait3A_173 = tpu.memref_slice %arg8[%dma_wait3A_171, %dma_wait3A_172] : memref<3x80xi32, #tpu.memory_space<vmem>> -> memref<1x80xi32, #tpu.memory_space<vmem>>
    %dma_wait3A_174 = tpu.memref_squeeze %dma_wait3A_173 : memref<1x80xi32, #tpu.memory_space<vmem>> -> memref<80xi32, #tpu.memory_space<vmem>>
    %dma_wait3A_175 = arith.constant 0 : i32
    %dma_wait3A_176 = arith.constant 0 : i32
    %dma_wait3A_177 = tpu.memref_slice %arg9[%dma_wait3A_175, %dma_wait3A_176] : memref<10000x128xf32, #tpu.memory_space<vmem_shared>> -> memref<10000x128xf32, #tpu.memory_space<vmem_shared>>
    tpu.wait_indirect_dma semaphore(%arg18 : memref<!tpu.dma_semaphore, #tpu.memory_space<semaphore_mem>>) src(%arg12 : memref<80x128xf32, #tpu.memory_space<vmem>>) dst(%dma_wait3A_177 : memref<10000x128xf32, #tpu.memory_space<vmem_shared>>)
    %multiple_of3A_178 = arith.constant 9840 : i32
    %multiple_of3A_179 = tpu.assume_multiple %multiple_of3A_178, 80 : i32
    %dma_start3A_180 = tpu.memref_slice %arg7[%multiple_of3A_179] : memref<10000xi32, #tpu.memory_space<vmem>> -> memref<80xi32, #tpu.memory_space<vmem>>
    %dma_start3A_181 = arith.constant 0 : i32
    %dma_start3A_182 = arith.constant 0 : i32
    %dma_start3A_183 = tpu.memref_slice %arg2[%dma_start3A_181, %dma_start3A_182] : memref<20000x128xf32, #tpu.memory_space<hbm>> -> memref<20000x128xf32, #tpu.memory_space<hbm>>
    tpu.enqueue_indirect_dma source(%dma_start3A_183 : memref<20000x128xf32, #tpu.memory_space<hbm>>) target(%arg10 : memref<80x128xf32, #tpu.memory_space<vmem>>) offsets(%dma_start3A_180 : memref<80xi32, #tpu.memory_space<vmem>>) semaphore(%arg13 : memref<!tpu.dma_semaphore, #tpu.memory_space<semaphore_mem>>)
    %dma_start3A_184 = arith.constant 0 : i32
    %dma_start3A_185 = arith.constant 0 : i32
    %dma_start3A_186 = tpu.memref_slice %arg8[%dma_start3A_184, %dma_start3A_185] : memref<3x80xi32, #tpu.memory_space<vmem>> -> memref<1x80xi32, #tpu.memory_space<vmem>>
    %dma_start3A_187 = arith.constant 123 : i32
    %dma_start3A_188 = arith.constant 0 : i32
    %dma_start3A_189 = tpu.memref_slice %arg5[%arg1, %dma_start3A_187, %dma_start3A_188] : memref<16x125x80xi32, #tpu.memory_space<hbm>> -> memref<1x1x80xi32, #tpu.memory_space<hbm>>
    %dma_start3A_190 = tpu.memref_squeeze %dma_start3A_189 : memref<1x1x80xi32, #tpu.memory_space<hbm>> -> memref<1x80xi32, #tpu.memory_space<hbm>>
    %dma_start3A_191 = arith.constant 0 : i32
    %dma_start3A_192 = arith.constant 0 : i32
    %dma_start3A_193 = tpu.memref_slice %arg8[%dma_start3A_191, %dma_start3A_192] : memref<3x80xi32, #tpu.memory_space<vmem>> -> memref<1x80xi32, #tpu.memory_space<vmem>>
    %dma_start3A_194 = arith.constant 123 : i32
    %dma_start3A_195 = arith.constant 0 : i32
    %dma_start3A_196 = tpu.memref_slice %arg5[%arg1, %dma_start3A_194, %dma_start3A_195] : memref<16x125x80xi32, #tpu.memory_space<hbm>> -> memref<1x1x80xi32, #tpu.memory_space<hbm>>
    %dma_start3A_197 = tpu.memref_squeeze %dma_start3A_196 : memref<1x1x80xi32, #tpu.memory_space<hbm>> -> memref<1x80xi32, #tpu.memory_space<hbm>>
    tpu.enqueue_dma source(%dma_start3A_197 : memref<1x80xi32, #tpu.memory_space<hbm>>) target(%dma_start3A_193 : memref<1x80xi32, #tpu.memory_space<vmem>>) target_semaphore(%arg19 : memref<!tpu.dma_semaphore, #tpu.memory_space<semaphore_mem>>)
    %dma_wait3A_198 = arith.constant 0 : i32
    %dma_wait3A_199 = tpu.memref_slice %arg7[%dma_wait3A_198] : memref<10000xi32, #tpu.memory_space<vmem>> -> memref<80xi32, #tpu.memory_space<vmem>>
    %dma_wait3A_200 = arith.constant 0 : i32
    %dma_wait3A_201 = arith.constant 0 : i32
    %dma_wait3A_202 = tpu.memref_slice %arg2[%dma_wait3A_200, %dma_wait3A_201] : memref<20000x128xf32, #tpu.memory_space<hbm>> -> memref<20000x128xf32, #tpu.memory_space<hbm>>
    tpu.wait_indirect_dma semaphore(%arg13 : memref<!tpu.dma_semaphore, #tpu.memory_space<semaphore_mem>>) src(%dma_wait3A_202 : memref<20000x128xf32, #tpu.memory_space<hbm>>) dst(%arg10 : memref<80x128xf32, #tpu.memory_space<vmem>>)
    %dma_wait3A_203 = arith.constant 0 : i32
    %dma_wait3A_204 = arith.constant 0 : i32
    %dma_wait3A_205 = tpu.memref_slice %arg8[%dma_wait3A_203, %dma_wait3A_204] : memref<3x80xi32, #tpu.memory_space<vmem>> -> memref<1x80xi32, #tpu.memory_space<vmem>>
    %dma_wait3A_206 = arith.constant 0 : i32
    %dma_wait3A_207 = arith.constant 0 : i32
    %dma_wait3A_208 = tpu.memref_slice %arg5[%arg1, %dma_wait3A_206, %dma_wait3A_207] : memref<16x125x80xi32, #tpu.memory_space<hbm>> -> memref<1x1x80xi32, #tpu.memory_space<hbm>>
    %dma_wait3A_209 = tpu.memref_squeeze %dma_wait3A_208 : memref<1x1x80xi32, #tpu.memory_space<hbm>> -> memref<1x80xi32, #tpu.memory_space<hbm>>
    %dma_wait3A_210 = arith.constant 0 : i32
    %dma_wait3A_211 = arith.constant 0 : i32
    %dma_wait3A_212 = tpu.memref_slice %arg8[%dma_wait3A_210, %dma_wait3A_211] : memref<3x80xi32, #tpu.memory_space<vmem>> -> memref<1x80xi32, #tpu.memory_space<vmem>>
    %dma_wait3A_213 = arith.constant 0 : i32
    %dma_wait3A_214 = arith.constant 0 : i32
    %dma_wait3A_215 = tpu.memref_slice %arg5[%arg1, %dma_wait3A_213, %dma_wait3A_214] : memref<16x125x80xi32, #tpu.memory_space<hbm>> -> memref<1x1x80xi32, #tpu.memory_space<hbm>>
    %dma_wait3A_216 = tpu.memref_squeeze %dma_wait3A_215 : memref<1x1x80xi32, #tpu.memory_space<hbm>> -> memref<1x80xi32, #tpu.memory_space<hbm>>
    tpu.wait_dma2 semaphore(%arg19 : memref<!tpu.dma_semaphore, #tpu.memory_space<semaphore_mem>>) src(%dma_wait3A_216 : memref<1x80xi32, #tpu.memory_space<hbm>>) dst(%dma_wait3A_212 : memref<1x80xi32, #tpu.memory_space<vmem>>)
    %dma_start3A_217 = arith.constant 0 : i32
    %dma_start3A_218 = arith.constant 0 : i32
    %dma_start3A_219 = tpu.memref_slice %arg8[%dma_start3A_217, %dma_start3A_218] : memref<3x80xi32, #tpu.memory_space<vmem>> -> memref<1x80xi32, #tpu.memory_space<vmem>>
    %dma_start3A_220 = tpu.memref_squeeze %dma_start3A_219 : memref<1x80xi32, #tpu.memory_space<vmem>> -> memref<80xi32, #tpu.memory_space<vmem>>
    %dma_start3A_221 = arith.constant 0 : i32
    %dma_start3A_222 = arith.constant 0 : i32
    %dma_start3A_223 = tpu.memref_slice %arg9[%dma_start3A_221, %dma_start3A_222] : memref<10000x128xf32, #tpu.memory_space<vmem_shared>> -> memref<10000x128xf32, #tpu.memory_space<vmem_shared>>
    tpu.enqueue_indirect_dma source(%arg10 : memref<80x128xf32, #tpu.memory_space<vmem>>) target(%dma_start3A_223 : memref<10000x128xf32, #tpu.memory_space<vmem_shared>>) offsets(%dma_start3A_220 : memref<80xi32, #tpu.memory_space<vmem>>) semaphore(%arg16 : memref<!tpu.dma_semaphore, #tpu.memory_space<semaphore_mem>>) {add = true}
    %dma_wait3A_224 = arith.constant 0 : i32
    %dma_wait3A_225 = arith.constant 0 : i32
    %dma_wait3A_226 = tpu.memref_slice %arg8[%dma_wait3A_224, %dma_wait3A_225] : memref<3x80xi32, #tpu.memory_space<vmem>> -> memref<1x80xi32, #tpu.memory_space<vmem>>
    %dma_wait3A_227 = tpu.memref_squeeze %dma_wait3A_226 : memref<1x80xi32, #tpu.memory_space<vmem>> -> memref<80xi32, #tpu.memory_space<vmem>>
    %dma_wait3A_228 = arith.constant 0 : i32
    %dma_wait3A_229 = arith.constant 0 : i32
    %dma_wait3A_230 = tpu.memref_slice %arg9[%dma_wait3A_228, %dma_wait3A_229] : memref<10000x128xf32, #tpu.memory_space<vmem_shared>> -> memref<10000x128xf32, #tpu.memory_space<vmem_shared>>
    tpu.wait_indirect_dma semaphore(%arg16 : memref<!tpu.dma_semaphore, #tpu.memory_space<semaphore_mem>>) src(%arg10 : memref<80x128xf32, #tpu.memory_space<vmem>>) dst(%dma_wait3A_230 : memref<10000x128xf32, #tpu.memory_space<vmem_shared>>)
    %multiple_of3A_231 = arith.constant 9920 : i32
    %multiple_of3A_232 = tpu.assume_multiple %multiple_of3A_231, 80 : i32
    %dma_start3A_233 = tpu.memref_slice %arg7[%multiple_of3A_232] : memref<10000xi32, #tpu.memory_space<vmem>> -> memref<80xi32, #tpu.memory_space<vmem>>
    %dma_start3A_234 = arith.constant 0 : i32
    %dma_start3A_235 = arith.constant 0 : i32
    %dma_start3A_236 = tpu.memref_slice %arg2[%dma_start3A_234, %dma_start3A_235] : memref<20000x128xf32, #tpu.memory_space<hbm>> -> memref<20000x128xf32, #tpu.memory_space<hbm>>
    tpu.enqueue_indirect_dma source(%dma_start3A_236 : memref<20000x128xf32, #tpu.memory_space<hbm>>) target(%arg10 : memref<80x128xf32, #tpu.memory_space<vmem>>) offsets(%dma_start3A_233 : memref<80xi32, #tpu.memory_space<vmem>>) semaphore(%arg13 : memref<!tpu.dma_semaphore, #tpu.memory_space<semaphore_mem>>)
    %dma_start3A_237 = arith.constant 0 : i32
    %dma_start3A_238 = arith.constant 0 : i32
    %dma_start3A_239 = tpu.memref_slice %arg8[%dma_start3A_237, %dma_start3A_238] : memref<3x80xi32, #tpu.memory_space<vmem>> -> memref<1x80xi32, #tpu.memory_space<vmem>>
    %dma_start3A_240 = arith.constant 124 : i32
    %dma_start3A_241 = arith.constant 0 : i32
    %dma_start3A_242 = tpu.memref_slice %arg5[%arg1, %dma_start3A_240, %dma_start3A_241] : memref<16x125x80xi32, #tpu.memory_space<hbm>> -> memref<1x1x80xi32, #tpu.memory_space<hbm>>
    %dma_start3A_243 = tpu.memref_squeeze %dma_start3A_242 : memref<1x1x80xi32, #tpu.memory_space<hbm>> -> memref<1x80xi32, #tpu.memory_space<hbm>>
    %dma_start3A_244 = arith.constant 0 : i32
    %dma_start3A_245 = arith.constant 0 : i32
    %dma_start3A_246 = tpu.memref_slice %arg8[%dma_start3A_244, %dma_start3A_245] : memref<3x80xi32, #tpu.memory_space<vmem>> -> memref<1x80xi32, #tpu.memory_space<vmem>>
    %dma_start3A_247 = arith.constant 124 : i32
    %dma_start3A_248 = arith.constant 0 : i32
    %dma_start3A_249 = tpu.memref_slice %arg5[%arg1, %dma_start3A_247, %dma_start3A_248] : memref<16x125x80xi32, #tpu.memory_space<hbm>> -> memref<1x1x80xi32, #tpu.memory_space<hbm>>
    %dma_start3A_250 = tpu.memref_squeeze %dma_start3A_249 : memref<1x1x80xi32, #tpu.memory_space<hbm>> -> memref<1x80xi32, #tpu.memory_space<hbm>>
    tpu.enqueue_dma source(%dma_start3A_250 : memref<1x80xi32, #tpu.memory_space<hbm>>) target(%dma_start3A_246 : memref<1x80xi32, #tpu.memory_space<vmem>>) target_semaphore(%arg19 : memref<!tpu.dma_semaphore, #tpu.memory_space<semaphore_mem>>)
    %dma_wait3A_251 = arith.constant 0 : i32
    %dma_wait3A_252 = tpu.memref_slice %arg7[%dma_wait3A_251] : memref<10000xi32, #tpu.memory_space<vmem>> -> memref<80xi32, #tpu.memory_space<vmem>>
    %dma_wait3A_253 = arith.constant 0 : i32
    %dma_wait3A_254 = arith.constant 0 : i32
    %dma_wait3A_255 = tpu.memref_slice %arg2[%dma_wait3A_253, %dma_wait3A_254] : memref<20000x128xf32, #tpu.memory_space<hbm>> -> memref<20000x128xf32, #tpu.memory_space<hbm>>
    tpu.wait_indirect_dma semaphore(%arg13 : memref<!tpu.dma_semaphore, #tpu.memory_space<semaphore_mem>>) src(%dma_wait3A_255 : memref<20000x128xf32, #tpu.memory_space<hbm>>) dst(%arg10 : memref<80x128xf32, #tpu.memory_space<vmem>>)
    %dma_wait3A_256 = arith.constant 0 : i32
    %dma_wait3A_257 = arith.constant 0 : i32
    %dma_wait3A_258 = tpu.memref_slice %arg8[%dma_wait3A_256, %dma_wait3A_257] : memref<3x80xi32, #tpu.memory_space<vmem>> -> memref<1x80xi32, #tpu.memory_space<vmem>>
    %dma_wait3A_259 = arith.constant 0 : i32
    %dma_wait3A_260 = arith.constant 0 : i32
    %dma_wait3A_261 = tpu.memref_slice %arg5[%arg1, %dma_wait3A_259, %dma_wait3A_260] : memref<16x125x80xi32, #tpu.memory_space<hbm>> -> memref<1x1x80xi32, #tpu.memory_space<hbm>>
    %dma_wait3A_262 = tpu.memref_squeeze %dma_wait3A_261 : memref<1x1x80xi32, #tpu.memory_space<hbm>> -> memref<1x80xi32, #tpu.memory_space<hbm>>
    %dma_wait3A_263 = arith.constant 0 : i32
    %dma_wait3A_264 = arith.constant 0 : i32
    %dma_wait3A_265 = tpu.memref_slice %arg8[%dma_wait3A_263, %dma_wait3A_264] : memref<3x80xi32, #tpu.memory_space<vmem>> -> memref<1x80xi32, #tpu.memory_space<vmem>>
    %dma_wait3A_266 = arith.constant 0 : i32
    %dma_wait3A_267 = arith.constant 0 : i32
    %dma_wait3A_268 = tpu.memref_slice %arg5[%arg1, %dma_wait3A_266, %dma_wait3A_267] : memref<16x125x80xi32, #tpu.memory_space<hbm>> -> memref<1x1x80xi32, #tpu.memory_space<hbm>>
    %dma_wait3A_269 = tpu.memref_squeeze %dma_wait3A_268 : memref<1x1x80xi32, #tpu.memory_space<hbm>> -> memref<1x80xi32, #tpu.memory_space<hbm>>
    tpu.wait_dma2 semaphore(%arg19 : memref<!tpu.dma_semaphore, #tpu.memory_space<semaphore_mem>>) src(%dma_wait3A_269 : memref<1x80xi32, #tpu.memory_space<hbm>>) dst(%dma_wait3A_265 : memref<1x80xi32, #tpu.memory_space<vmem>>)
    %dma_start3A_270 = arith.constant 0 : i32
    %dma_start3A_271 = arith.constant 0 : i32
    %dma_start3A_272 = tpu.memref_slice %arg8[%dma_start3A_270, %dma_start3A_271] : memref<3x80xi32, #tpu.memory_space<vmem>> -> memref<1x80xi32, #tpu.memory_space<vmem>>
    %dma_start3A_273 = tpu.memref_squeeze %dma_start3A_272 : memref<1x80xi32, #tpu.memory_space<vmem>> -> memref<80xi32, #tpu.memory_space<vmem>>
    %dma_start3A_274 = arith.constant 0 : i32
    %dma_start3A_275 = arith.constant 0 : i32
    %dma_start3A_276 = tpu.memref_slice %arg9[%dma_start3A_274, %dma_start3A_275] : memref<10000x128xf32, #tpu.memory_space<vmem_shared>> -> memref<10000x128xf32, #tpu.memory_space<vmem_shared>>
    tpu.enqueue_indirect_dma source(%arg10 : memref<80x128xf32, #tpu.memory_space<vmem>>) target(%dma_start3A_276 : memref<10000x128xf32, #tpu.memory_space<vmem_shared>>) offsets(%dma_start3A_273 : memref<80xi32, #tpu.memory_space<vmem>>) semaphore(%arg16 : memref<!tpu.dma_semaphore, #tpu.memory_space<semaphore_mem>>) {add = true}
    %dma_wait3A_277 = arith.constant 0 : i32
    %dma_wait3A_278 = arith.constant 0 : i32
    %dma_wait3A_279 = tpu.memref_slice %arg8[%dma_wait3A_277, %dma_wait3A_278] : memref<3x80xi32, #tpu.memory_space<vmem>> -> memref<1x80xi32, #tpu.memory_space<vmem>>
    %dma_wait3A_280 = tpu.memref_squeeze %dma_wait3A_279 : memref<1x80xi32, #tpu.memory_space<vmem>> -> memref<80xi32, #tpu.memory_space<vmem>>
    %dma_wait3A_281 = arith.constant 0 : i32
    %dma_wait3A_282 = arith.constant 0 : i32
    %dma_wait3A_283 = tpu.memref_slice %arg9[%dma_wait3A_281, %dma_wait3A_282] : memref<10000x128xf32, #tpu.memory_space<vmem_shared>> -> memref<10000x128xf32, #tpu.memory_space<vmem_shared>>
    tpu.wait_indirect_dma semaphore(%arg16 : memref<!tpu.dma_semaphore, #tpu.memory_space<semaphore_mem>>) src(%arg10 : memref<80x128xf32, #tpu.memory_space<vmem>>) dst(%dma_wait3A_283 : memref<10000x128xf32, #tpu.memory_space<vmem_shared>>)
    %barrier3A_284 = arith.constant 0 : index
    tpu.barrier barrier_id(%barrier3A_284)
    %mul3A_285 = arith.constant 10000 : i32
    %mul3A_286 = arith.muli %arg0, %mul3A_285 : i32
    %add3A = arith.addi %mul3A_286, %mul3A_0 : i32
    "tpu.region"() ({
      %run_scoped3A = tpu.sem_alloc : memref<!tpu.dma_semaphore, #tpu.memory_space<semaphore_mem>>
      %dma_start3A_292 = arith.constant 0 : i32
      %dma_start3A_293 = tpu.memref_slice %arg6[%add3A, %dma_start3A_292] : memref<20000x128xf32, #tpu.memory_space<hbm>> -> memref<624x128xf32, #tpu.memory_space<hbm>>
      %dma_start3A_294 = arith.constant 0 : i32
      %dma_start3A_295 = tpu.memref_slice %arg9[%mul3A_0, %dma_start3A_294] : memref<10000x128xf32, #tpu.memory_space<vmem_shared>> -> memref<624x128xf32, #tpu.memory_space<vmem_shared>>
      tpu.enqueue_dma source(%dma_start3A_295 : memref<624x128xf32, #tpu.memory_space<vmem_shared>>) target(%dma_start3A_293 : memref<624x128xf32, #tpu.memory_space<hbm>>) target_semaphore(%run_scoped3A : memref<!tpu.dma_semaphore, #tpu.memory_space<semaphore_mem>>)
      %dma_wait3A_296 = arith.constant 0 : i32
      %dma_wait3A_297 = tpu.memref_slice %arg6[%add3A, %dma_wait3A_296] : memref<20000x128xf32, #tpu.memory_space<hbm>> -> memref<624x128xf32, #tpu.memory_space<hbm>>
      %dma_wait3A_298 = arith.constant 0 : i32
      %dma_wait3A_299 = tpu.memref_slice %arg9[%mul3A_0, %dma_wait3A_298] : memref<10000x128xf32, #tpu.memory_space<vmem_shared>> -> memref<624x128xf32, #tpu.memory_space<vmem_shared>>
      tpu.wait_dma2 semaphore(%run_scoped3A : memref<!tpu.dma_semaphore, #tpu.memory_space<semaphore_mem>>) src(%dma_wait3A_299 : memref<624x128xf32, #tpu.memory_space<vmem_shared>>) dst(%dma_wait3A_297 : memref<624x128xf32, #tpu.memory_space<hbm>>)
      tpu.yield
    }) : () -> ()
    %eq3A_287 = arith.constant 0 : i32
    %eq3A_288 = arith.cmpi eq, %arg1, %eq3A_287 : i32
    %convert_element_type3A_289 = arith.extui %eq3A_288 : i1 to i32
    %cond3A_290 = arith.constant 0 : i32
    %cond3A_291 = arith.cmpi ne, %convert_element_type3A_289, %cond3A_290 : i32
    scf.if %cond3A_291 {
      %mul3A_292 = arith.constant 10000 : i32
      %mul3A_293 = arith.muli %arg0, %mul3A_292 : i32
      %add3A_294 = arith.constant 9984 : i32
      %add3A_295 = arith.addi %mul3A_293, %add3A_294 : i32
      "tpu.region"() ({
        %run_scoped3A = tpu.sem_alloc : memref<!tpu.dma_semaphore, #tpu.memory_space<semaphore_mem>>
        %dma_start3A_296 = arith.constant 0 : i32
        %dma_start3A_297 = tpu.memref_slice %arg6[%add3A_295, %dma_start3A_296] : memref<20000x128xf32, #tpu.memory_space<hbm>> -> memref<16x128xf32, #tpu.memory_space<hbm>>
        %dma_start3A_298 = arith.constant 9984 : i32
        %dma_start3A_299 = arith.constant 0 : i32
        %dma_start3A_300 = tpu.memref_slice %arg9[%dma_start3A_298, %dma_start3A_299] : memref<10000x128xf32, #tpu.memory_space<vmem_shared>> -> memref<16x128xf32, #tpu.memory_space<vmem_shared>>
        tpu.enqueue_dma source(%dma_start3A_300 : memref<16x128xf32, #tpu.memory_space<vmem_shared>>) target(%dma_start3A_297 : memref<16x128xf32, #tpu.memory_space<hbm>>) target_semaphore(%run_scoped3A : memref<!tpu.dma_semaphore, #tpu.memory_space<semaphore_mem>>)
        %dma_wait3A_301 = arith.constant 0 : i32
        %dma_wait3A_302 = tpu.memref_slice %arg6[%add3A_295, %dma_wait3A_301] : memref<20000x128xf32, #tpu.memory_space<hbm>> -> memref<16x128xf32, #tpu.memory_space<hbm>>
        %dma_wait3A_303 = arith.constant 9984 : i32
        %dma_wait3A_304 = arith.constant 0 : i32
        %dma_wait3A_305 = tpu.memref_slice %arg9[%dma_wait3A_303, %dma_wait3A_304] : memref<10000x128xf32, #tpu.memory_space<vmem_shared>> -> memref<16x128xf32, #tpu.memory_space<vmem_shared>>
        tpu.wait_dma2 semaphore(%run_scoped3A : memref<!tpu.dma_semaphore, #tpu.memory_space<semaphore_mem>>) src(%dma_wait3A_305 : memref<16x128xf32, #tpu.memory_space<vmem_shared>>) dst(%dma_wait3A_302 : memref<16x128xf32, #tpu.memory_space<hbm>>)
        tpu.yield
      }) : () -> ()
    } else {
    }
    return
  }
}

module attributes {stable_mosaic.version = 14 : i64} {
  func.func @_mlp_body(%arg0: i32, %arg1: i32, %arg2: memref<2000x256xf32, #tpu.memory_space<vmem>>, %arg3: memref<2000x128xf32, #tpu.memory_space<vmem>>, %arg4: memref<2000x128xf32, #tpu.memory_space<vmem>>, %arg5: memref<128x128xf32, #tpu.memory_space<vmem>>, %arg6: memref<128x128xf32, #tpu.memory_space<vmem>>, %arg7: memref<128x128xf32, #tpu.memory_space<vmem>>, %arg8: memref<128x128xf32, #tpu.memory_space<vmem>>, %arg9: memref<16x128xf32, #tpu.memory_space<vmem>>, %arg10: memref<2000x256xf32, #tpu.memory_space<vmem>>, %arg11: memref<10000x128xf32, #tpu.memory_space<vmem>>, %arg12: memref<10000x128xf32, #tpu.memory_space<vmem>>, %arg13: memref<10000x128xf32, #tpu.memory_space<vmem>>, %arg14: memref<8x128xf32, #tpu.memory_space<vmem>>) attributes {dimension_semantics = [#tpu.dimension_semantics<arbitrary>, #tpu.dimension_semantics<arbitrary>], iteration_bounds = array<i64: 2, 5>, scalar_prefetch = 0 : i64, scratch_operands = 4 : i64, tpu.core_type = #tpu.core_type<tc>, window_params = [{transform_indices = @transform_0, window_bounds = array<i64: 2000, 256>}, {transform_indices = @transform_1, window_bounds = array<i64: 2000, 128>}, {transform_indices = @transform_2, window_bounds = array<i64: 2000, 128>}, {pipeline_mode = #tpu.pipeline_mode<synchronous>, transform_indices = @transform_3, window_bounds = array<i64: 128, 128>}, {pipeline_mode = #tpu.pipeline_mode<synchronous>, transform_indices = @transform_4, window_bounds = array<i64: 128, 128>}, {pipeline_mode = #tpu.pipeline_mode<synchronous>, transform_indices = @transform_5, window_bounds = array<i64: 128, 128>}, {pipeline_mode = #tpu.pipeline_mode<synchronous>, transform_indices = @transform_6, window_bounds = array<i64: 128, 128>}, {pipeline_mode = #tpu.pipeline_mode<synchronous>, transform_indices = @transform_7, window_bounds = array<i64: 16, 128>}, {transform_indices = @transform_8, window_bounds = array<i64: 2000, 256>}]} {
    %mul3A = arith.constant 2000 : i32
    %mul3A_0 = arith.muli %arg1, %mul3A : i32
    %multiple_of3A = tpu.assume_multiple %mul3A_0, 2000 : i32
    %eq3A = arith.constant 0 : i32
    %eq3A_1 = arith.cmpi eq, %arg0, %eq3A : i32
    %eq3A_2 = arith.constant 0 : i32
    %eq3A_3 = arith.cmpi eq, %arg1, %eq3A_2 : i32
    %and3A = arith.andi %eq3A_1, %eq3A_3 : i1
    %convert_element_type3A = arith.extui %and3A : i1 to i32
    %cond3A = arith.constant 0 : i32
    %cond3A_4 = arith.cmpi ne, %convert_element_type3A, %cond3A : i32
    scf.if %cond3A_4 {
      %broadcast_in_dim3A = arith.constant 0.000000e+00 : f32
      %broadcast_in_dim3A_15 = vector.broadcast %broadcast_in_dim3A : f32 to vector<8x128xf32>
      %swap3A = arith.constant 0 : index
      %swap3A_16 = arith.constant 0 : index
      %swap3A_17 = vector.load %arg14[%swap3A, %swap3A_16] : memref<8x128xf32, #tpu.memory_space<vmem>>, vector<8x128xf32>
      tpu.vector_store %arg14[%swap3A, %swap3A_16], %broadcast_in_dim3A_15 {strides = array<i32>} : memref<8x128xf32, #tpu.memory_space<vmem>>, vector<8x128xf32>,
    } else {
    }
    %eq3A_5 = arith.constant 0 : i32
    %eq3A_6 = arith.cmpi eq, %arg0, %eq3A_5 : i32
    %convert_element_type3A_7 = arith.extui %eq3A_6 : i1 to i32
    %cond3A_8 = arith.constant 0 : i32
    %cond3A_9 = arith.cmpi ne, %convert_element_type3A_7, %cond3A_8 : i32
    scf.if %cond3A_9 {
      %get3A = arith.constant 0 : index
      %get3A_15 = arith.constant 0 : index
      %get3A_16 = vector.load %arg2[%get3A, %get3A_15] : memref<2000x256xf32, #tpu.memory_space<vmem>>, vector<2000x128xf32>
      %get3A_17 = arith.constant 0 : index
      %get3A_18 = arith.constant 128 : index
      %get3A_19 = vector.load %arg2[%get3A_17, %get3A_18] : memref<2000x256xf32, #tpu.memory_space<vmem>>, vector<2000x128xf32>
      %get3A_20 = arith.constant 8 : index
      %get3A_21 = arith.constant 0 : index
      %get3A_22 = vector.load %arg9[%get3A_20, %get3A_21] : memref<16x128xf32, #tpu.memory_space<vmem>>, vector<1x128xf32>
      %get3A_23 = arith.constant 9 : index
      %get3A_24 = arith.constant 0 : index
      %get3A_25 = vector.load %arg9[%get3A_23, %get3A_24] : memref<16x128xf32, #tpu.memory_space<vmem>>, vector<1x128xf32>
      %get3A_26 = arith.constant 0 : index
      %get3A_27 = arith.constant 0 : index
      %get3A_28 = vector.load %arg3[%get3A_26, %get3A_27] : memref<2000x128xf32, #tpu.memory_space<vmem>>, vector<2000x128xf32>
      %mul3A_29 = vector.broadcast %get3A_22 : vector<1x128xf32> to vector<2000x128xf32>
      %mul3A_30 = arith.mulf %mul3A_29, %get3A_16 : vector<2000x128xf32>
      %add3A = arith.addf %get3A_28, %mul3A_30 : vector<2000x128xf32>
      %get3A_31 = arith.constant 0 : index
      %get3A_32 = arith.constant 0 : index
      %get3A_33 = vector.load %arg4[%get3A_31, %get3A_32] : memref<2000x128xf32, #tpu.memory_space<vmem>>, vector<2000x128xf32>
      %mul3A_34 = vector.broadcast %get3A_22 : vector<1x128xf32> to vector<2000x128xf32>
      %mul3A_35 = arith.mulf %mul3A_34, %get3A_19 : vector<2000x128xf32>
      %add3A_36 = arith.addf %get3A_33, %mul3A_35 : vector<2000x128xf32>
      %get3A_37 = arith.constant 0 : index
      %get3A_38 = arith.constant 0 : index
      %get3A_39 = vector.load %arg3[%get3A_37, %get3A_38] : memref<2000x128xf32, #tpu.memory_space<vmem>>, vector<2000x128xf32>
      %get3A_40 = arith.constant 0 : index
      %get3A_41 = arith.constant 0 : index
      %get3A_42 = vector.load %arg4[%get3A_40, %get3A_41] : memref<2000x128xf32, #tpu.memory_space<vmem>>, vector<2000x128xf32>
      %add3A_43 = arith.addf %get3A_39, %get3A_42 : vector<2000x128xf32>
      %mul3A_44 = arith.constant 5.000000e-01 : f32
      %mul3A_45 = vector.broadcast %mul3A_44 : f32 to vector<2000x128xf32>
      %mul3A_46 = arith.mulf %mul3A_45, %add3A_43 : vector<2000x128xf32>
      %mul3A_47 = arith.constant 5.000000e-01 : f32
      %mul3A_48 = vector.broadcast %mul3A_47 : f32 to vector<1x128xf32>
      %mul3A_49 = arith.mulf %mul3A_48, %get3A_25 : vector<1x128xf32>
      %add3A_50 = arith.addf %get3A_16, %get3A_19 : vector<2000x128xf32>
      %mul3A_51 = vector.broadcast %mul3A_49 : vector<1x128xf32> to vector<2000x128xf32>
      %mul3A_52 = arith.mulf %mul3A_51, %add3A_50 : vector<2000x128xf32>
      %add3A_53 = arith.addf %mul3A_46, %mul3A_52 : vector<2000x128xf32>
      %get3A_54 = arith.constant 0 : index
      %get3A_55 = arith.constant 0 : index
      %get3A_56 = vector.load %arg5[%get3A_54, %get3A_55] : memref<128x128xf32, #tpu.memory_space<vmem>>, vector<128x128xf32>
      %dot_general3A = arith.constant dense<0.000000e+00> : vector<2000x128xf32>
      %dot_general3A_57 = tpu.matmul %add3A, %get3A_56, %dot_general3A {dimension_numbers = #tpu.dot_dimension_numbers<[1], [0], [0], [1], [0, 0, 1, 1], [], []>, transpose_lhs_hint = false} : vector<2000x128xf32>, vector<128x128xf32>, vector<2000x128xf32> -> vector<2000x128xf32>
      %get3A_58 = arith.constant 0 : index
      %get3A_59 = arith.constant 0 : index
      %get3A_60 = vector.load %arg9[%get3A_58, %get3A_59] : memref<16x128xf32, #tpu.memory_space<vmem>>, vector<1x128xf32>
      %add3A_61 = vector.broadcast %get3A_60 : vector<1x128xf32> to vector<2000x128xf32>
      %add3A_62 = arith.addf %dot_general3A_57, %add3A_61 : vector<2000x128xf32>
      %get3A_63 = arith.constant 0 : index
      %get3A_64 = arith.constant 0 : index
      %get3A_65 = vector.load %arg5[%get3A_63, %get3A_64] : memref<128x128xf32, #tpu.memory_space<vmem>>, vector<128x128xf32>
      %dot_general3A_66 = arith.constant dense<0.000000e+00> : vector<2000x128xf32>
      %dot_general3A_67 = tpu.matmul %add3A_36, %get3A_65, %dot_general3A_66 {dimension_numbers = #tpu.dot_dimension_numbers<[1], [0], [0], [1], [0, 0, 1, 1], [], []>, transpose_lhs_hint = false} : vector<2000x128xf32>, vector<128x128xf32>, vector<2000x128xf32> -> vector<2000x128xf32>
      %get3A_68 = arith.constant 0 : index
      %get3A_69 = arith.constant 0 : index
      %get3A_70 = vector.load %arg9[%get3A_68, %get3A_69] : memref<16x128xf32, #tpu.memory_space<vmem>>, vector<1x128xf32>
      %add3A_71 = vector.broadcast %get3A_70 : vector<1x128xf32> to vector<2000x128xf32>
      %add3A_72 = arith.addf %dot_general3A_67, %add3A_71 : vector<2000x128xf32>
      %get3A_73 = arith.constant 0 : index
      %get3A_74 = arith.constant 0 : index
      %get3A_75 = vector.load %arg7[%get3A_73, %get3A_74] : memref<128x128xf32, #tpu.memory_space<vmem>>, vector<128x128xf32>
      %dot_general3A_76 = arith.constant dense<0.000000e+00> : vector<2000x128xf32>
      %dot_general3A_77 = tpu.matmul %add3A_53, %get3A_75, %dot_general3A_76 {dimension_numbers = #tpu.dot_dimension_numbers<[1], [0], [0], [1], [0, 0, 1, 1], [], []>, transpose_lhs_hint = false} : vector<2000x128xf32>, vector<128x128xf32>, vector<2000x128xf32> -> vector<2000x128xf32>
      %get3A_78 = arith.constant 4 : index
      %get3A_79 = arith.constant 0 : index
      %get3A_80 = vector.load %arg9[%get3A_78, %get3A_79] : memref<16x128xf32, #tpu.memory_space<vmem>>, vector<1x128xf32>
      %add3A_81 = vector.broadcast %get3A_80 : vector<1x128xf32> to vector<2000x128xf32>
      %add3A_82 = arith.addf %dot_general3A_77, %add3A_81 : vector<2000x128xf32>
      %swap3A = arith.index_cast %multiple_of3A : i32 to index
      %swap3A_83 = arith.constant 0 : index
      %swap3A_84 = vector.load %arg11[%swap3A, %swap3A_83] : memref<10000x128xf32, #tpu.memory_space<vmem>>, vector<2000x128xf32>
      tpu.vector_store %arg11[%swap3A, %swap3A_83], %add3A_62 {strides = array<i32>} : memref<10000x128xf32, #tpu.memory_space<vmem>>, vector<2000x128xf32>,
      %swap3A_85 = arith.index_cast %multiple_of3A : i32 to index
      %swap3A_86 = arith.constant 0 : index
      %swap3A_87 = vector.load %arg12[%swap3A_85, %swap3A_86] : memref<10000x128xf32, #tpu.memory_space<vmem>>, vector<2000x128xf32>
      tpu.vector_store %arg12[%swap3A_85, %swap3A_86], %add3A_72 {strides = array<i32>} : memref<10000x128xf32, #tpu.memory_space<vmem>>, vector<2000x128xf32>,
      %swap3A_88 = arith.index_cast %multiple_of3A : i32 to index
      %swap3A_89 = arith.constant 0 : index
      %swap3A_90 = vector.load %arg13[%swap3A_88, %swap3A_89] : memref<10000x128xf32, #tpu.memory_space<vmem>>, vector<2000x128xf32>
      tpu.vector_store %arg13[%swap3A_88, %swap3A_89], %add3A_82 {strides = array<i32>} : memref<10000x128xf32, #tpu.memory_space<vmem>>, vector<2000x128xf32>,
      %reduce_sum3A = arith.constant dense<0.000000e+00> : vector<128xf32>
      %reduce_sum3A_91 = vector.multi_reduction <add>, %add3A_62, %reduce_sum3A [0] : vector<2000x128xf32> to vector<128xf32>
      %reduce_sum3A_92 = arith.constant dense<0.000000e+00> : vector<128xf32>
      %reduce_sum3A_93 = vector.multi_reduction <add>, %add3A_72, %reduce_sum3A_92 [0] : vector<2000x128xf32> to vector<128xf32>
      %add3A_94 = arith.addf %reduce_sum3A_91, %reduce_sum3A_93 : vector<128xf32>
      %mul3A_95 = arith.mulf %add3A_62, %add3A_62 : vector<2000x128xf32>
      %reduce_sum3A_96 = arith.constant dense<0.000000e+00> : vector<128xf32>
      %reduce_sum3A_97 = vector.multi_reduction <add>, %mul3A_95, %reduce_sum3A_96 [0] : vector<2000x128xf32> to vector<128xf32>
      %mul3A_98 = arith.mulf %add3A_72, %add3A_72 : vector<2000x128xf32>
      %reduce_sum3A_99 = arith.constant dense<0.000000e+00> : vector<128xf32>
      %reduce_sum3A_100 = vector.multi_reduction <add>, %mul3A_98, %reduce_sum3A_99 [0] : vector<2000x128xf32> to vector<128xf32>
      %add3A_101 = arith.addf %reduce_sum3A_97, %reduce_sum3A_100 : vector<128xf32>
      %reduce_sum3A_102 = arith.constant dense<0.000000e+00> : vector<128xf32>
      %reduce_sum3A_103 = vector.multi_reduction <add>, %add3A_82, %reduce_sum3A_102 [0] : vector<2000x128xf32> to vector<128xf32>
      %mul3A_104 = arith.mulf %add3A_82, %add3A_82 : vector<2000x128xf32>
      %reduce_sum3A_105 = arith.constant dense<0.000000e+00> : vector<128xf32>
      %reduce_sum3A_106 = vector.multi_reduction <add>, %mul3A_104, %reduce_sum3A_105 [0] : vector<2000x128xf32> to vector<128xf32>
      %broadcast_in_dim3A = arith.constant 0.000000e+00 : f32
      %broadcast_in_dim3A_107 = vector.broadcast %broadcast_in_dim3A : f32 to vector<128xf32>
      %get3A_108 = arith.constant 0 : index
      %get3A_109 = arith.constant 0 : index
      %get3A_110 = vector.load %arg14[%get3A_108, %get3A_109] : memref<8x128xf32, #tpu.memory_space<vmem>>, vector<8x128xf32>
      %stack3A = vector.shape_cast %add3A_94 : vector<128xf32> to vector<1x128xf32>
      %stack3A_111 = vector.shape_cast %add3A_101 : vector<128xf32> to vector<1x128xf32>
      %stack3A_112 = vector.shape_cast %reduce_sum3A_103 : vector<128xf32> to vector<1x128xf32>
      %stack3A_113 = vector.shape_cast %reduce_sum3A_106 : vector<128xf32> to vector<1x128xf32>
      %stack3A_114 = vector.shape_cast %broadcast_in_dim3A_107 : vector<128xf32> to vector<1x128xf32>
      %stack3A_115 = vector.shape_cast %broadcast_in_dim3A_107 : vector<128xf32> to vector<1x128xf32>
      %stack3A_116 = vector.shape_cast %broadcast_in_dim3A_107 : vector<128xf32> to vector<1x128xf32>
      %stack3A_117 = vector.shape_cast %broadcast_in_dim3A_107 : vector<128xf32> to vector<1x128xf32>
      %stack3A_118 = tpu.concatenate %stack3A, %stack3A_111, %stack3A_112, %stack3A_113, %stack3A_114, %stack3A_115, %stack3A_116, %stack3A_117 in 0 : vector<1x128xf32>, vector<1x128xf32>, vector<1x128xf32>, vector<1x128xf32>, vector<1x128xf32>, vector<1x128xf32>, vector<1x128xf32>, vector<1x128xf32> -> vector<8x128xf32>
      %add3A_119 = arith.addf %get3A_110, %stack3A_118 : vector<8x128xf32>
      %swap3A_120 = arith.constant 0 : index
      %swap3A_121 = arith.constant 0 : index
      %swap3A_122 = vector.load %arg14[%swap3A_120, %swap3A_121] : memref<8x128xf32, #tpu.memory_space<vmem>>, vector<8x128xf32>
      tpu.vector_store %arg14[%swap3A_120, %swap3A_121], %add3A_119 {strides = array<i32>} : memref<8x128xf32, #tpu.memory_space<vmem>>, vector<8x128xf32>,
    } else {
    }
    %eq3A_10 = arith.constant 1 : i32
    %eq3A_11 = arith.cmpi eq, %arg0, %eq3A_10 : i32
    %convert_element_type3A_12 = arith.extui %eq3A_11 : i1 to i32
    %cond3A_13 = arith.constant 0 : i32
    %cond3A_14 = arith.cmpi ne, %convert_element_type3A_12, %cond3A_13 : i32
    scf.if %cond3A_14 {
      %get3A = arith.constant 0 : index
      %get3A_15 = arith.constant 0 : index
      %get3A_16 = vector.load %arg14[%get3A, %get3A_15] : memref<8x128xf32, #tpu.memory_space<vmem>>, vector<1x128xf32>
      %mul3A_17 = arith.constant 5.000000e-05 : f32
      %mul3A_18 = vector.broadcast %mul3A_17 : f32 to vector<1x128xf32>
      %mul3A_19 = arith.mulf %get3A_16, %mul3A_18 : vector<1x128xf32>
      %get3A_20 = arith.constant 1 : index
      %get3A_21 = arith.constant 0 : index
      %get3A_22 = vector.load %arg14[%get3A_20, %get3A_21] : memref<8x128xf32, #tpu.memory_space<vmem>>, vector<1x128xf32>
      %mul3A_23 = arith.constant 5.000000e-05 : f32
      %mul3A_24 = vector.broadcast %mul3A_23 : f32 to vector<1x128xf32>
      %mul3A_25 = arith.mulf %get3A_22, %mul3A_24 : vector<1x128xf32>
      %mul3A_26 = arith.mulf %mul3A_19, %mul3A_19 : vector<1x128xf32>
      %sub3A = arith.subf %mul3A_25, %mul3A_26 : vector<1x128xf32>
      %get3A_27 = arith.constant 2 : index
      %get3A_28 = arith.constant 0 : index
      %get3A_29 = vector.load %arg9[%get3A_27, %get3A_28] : memref<16x128xf32, #tpu.memory_space<vmem>>, vector<1x128xf32>
      %add3A = arith.constant 9.99999974E-6 : f32
      %add3A_30 = vector.broadcast %add3A : f32 to vector<1x128xf32>
      %add3A_31 = arith.addf %sub3A, %add3A_30 : vector<1x128xf32>
      %rsqrt3A = math.rsqrt %add3A_31 : vector<1x128xf32>
      %mul3A_32 = arith.mulf %get3A_29, %rsqrt3A : vector<1x128xf32>
      %get3A_33 = arith.constant 3 : index
      %get3A_34 = arith.constant 0 : index
      %get3A_35 = vector.load %arg9[%get3A_33, %get3A_34] : memref<16x128xf32, #tpu.memory_space<vmem>>, vector<1x128xf32>
      %mul3A_36 = arith.mulf %mul3A_19, %mul3A_32 : vector<1x128xf32>
      %sub3A_37 = arith.subf %get3A_35, %mul3A_36 : vector<1x128xf32>
      %get3A_38 = arith.constant 2 : index
      %get3A_39 = arith.constant 0 : index
      %get3A_40 = vector.load %arg14[%get3A_38, %get3A_39] : memref<8x128xf32, #tpu.memory_space<vmem>>, vector<1x128xf32>
      %mul3A_41 = arith.constant 9.99999974E-5 : f32
      %mul3A_42 = vector.broadcast %mul3A_41 : f32 to vector<1x128xf32>
      %mul3A_43 = arith.mulf %get3A_40, %mul3A_42 : vector<1x128xf32>
      %get3A_44 = arith.constant 3 : index
      %get3A_45 = arith.constant 0 : index
      %get3A_46 = vector.load %arg14[%get3A_44, %get3A_45] : memref<8x128xf32, #tpu.memory_space<vmem>>, vector<1x128xf32>
      %mul3A_47 = arith.constant 9.99999974E-5 : f32
      %mul3A_48 = vector.broadcast %mul3A_47 : f32 to vector<1x128xf32>
      %mul3A_49 = arith.mulf %get3A_46, %mul3A_48 : vector<1x128xf32>
      %mul3A_50 = arith.mulf %mul3A_43, %mul3A_43 : vector<1x128xf32>
      %sub3A_51 = arith.subf %mul3A_49, %mul3A_50 : vector<1x128xf32>
      %get3A_52 = arith.constant 6 : index
      %get3A_53 = arith.constant 0 : index
      %get3A_54 = vector.load %arg9[%get3A_52, %get3A_53] : memref<16x128xf32, #tpu.memory_space<vmem>>, vector<1x128xf32>
      %add3A_55 = arith.constant 9.99999974E-6 : f32
      %add3A_56 = vector.broadcast %add3A_55 : f32 to vector<1x128xf32>
      %add3A_57 = arith.addf %sub3A_51, %add3A_56 : vector<1x128xf32>
      %rsqrt3A_58 = math.rsqrt %add3A_57 : vector<1x128xf32>
      %mul3A_59 = arith.mulf %get3A_54, %rsqrt3A_58 : vector<1x128xf32>
      %get3A_60 = arith.constant 7 : index
      %get3A_61 = arith.constant 0 : index
      %get3A_62 = vector.load %arg9[%get3A_60, %get3A_61] : memref<16x128xf32, #tpu.memory_space<vmem>>, vector<1x128xf32>
      %mul3A_63 = arith.mulf %mul3A_43, %mul3A_59 : vector<1x128xf32>
      %sub3A_64 = arith.subf %get3A_62, %mul3A_63 : vector<1x128xf32>
      %get3A_65 = arith.index_cast %multiple_of3A : i32 to index
      %get3A_66 = arith.constant 0 : index
      %get3A_67 = vector.load %arg11[%get3A_65, %get3A_66] : memref<10000x128xf32, #tpu.memory_space<vmem>>, vector<2000x128xf32>
      %get3A_68 = arith.index_cast %multiple_of3A : i32 to index
      %get3A_69 = arith.constant 0 : index
      %get3A_70 = vector.load %arg12[%get3A_68, %get3A_69] : memref<10000x128xf32, #tpu.memory_space<vmem>>, vector<2000x128xf32>
      %get3A_71 = arith.index_cast %multiple_of3A : i32 to index
      %get3A_72 = arith.constant 0 : index
      %get3A_73 = vector.load %arg13[%get3A_71, %get3A_72] : memref<10000x128xf32, #tpu.memory_space<vmem>>, vector<2000x128xf32>
      %mul3A_74 = vector.broadcast %mul3A_32 : vector<1x128xf32> to vector<2000x128xf32>
      %mul3A_75 = arith.mulf %get3A_67, %mul3A_74 : vector<2000x128xf32>
      %add3A_76 = vector.broadcast %sub3A_37 : vector<1x128xf32> to vector<2000x128xf32>
      %add3A_77 = arith.addf %mul3A_75, %add3A_76 : vector<2000x128xf32>
      %max3A = arith.constant 0.000000e+00 : f32
      %max3A_78 = vector.broadcast %max3A : f32 to vector<2000x128xf32>
      %max3A_79 = arith.maximumf %add3A_77, %max3A_78 : vector<2000x128xf32>
      %mul3A_80 = vector.broadcast %mul3A_32 : vector<1x128xf32> to vector<2000x128xf32>
      %mul3A_81 = arith.mulf %get3A_70, %mul3A_80 : vector<2000x128xf32>
      %add3A_82 = vector.broadcast %sub3A_37 : vector<1x128xf32> to vector<2000x128xf32>
      %add3A_83 = arith.addf %mul3A_81, %add3A_82 : vector<2000x128xf32>
      %max3A_84 = arith.constant 0.000000e+00 : f32
      %max3A_85 = vector.broadcast %max3A_84 : f32 to vector<2000x128xf32>
      %max3A_86 = arith.maximumf %add3A_83, %max3A_85 : vector<2000x128xf32>
      %mul3A_87 = vector.broadcast %mul3A_59 : vector<1x128xf32> to vector<2000x128xf32>
      %mul3A_88 = arith.mulf %get3A_73, %mul3A_87 : vector<2000x128xf32>
      %add3A_89 = vector.broadcast %sub3A_64 : vector<1x128xf32> to vector<2000x128xf32>
      %add3A_90 = arith.addf %mul3A_88, %add3A_89 : vector<2000x128xf32>
      %max3A_91 = arith.constant 0.000000e+00 : f32
      %max3A_92 = vector.broadcast %max3A_91 : f32 to vector<2000x128xf32>
      %max3A_93 = arith.maximumf %add3A_90, %max3A_92 : vector<2000x128xf32>
      %get3A_94 = arith.constant 0 : index
      %get3A_95 = arith.constant 0 : index
      %get3A_96 = vector.load %arg6[%get3A_94, %get3A_95] : memref<128x128xf32, #tpu.memory_space<vmem>>, vector<128x128xf32>
      %dot_general3A = arith.constant dense<0.000000e+00> : vector<2000x128xf32>
      %dot_general3A_97 = tpu.matmul %max3A_79, %get3A_96, %dot_general3A {dimension_numbers = #tpu.dot_dimension_numbers<[1], [0], [0], [1], [0, 0, 1, 1], [], []>, transpose_lhs_hint = false} : vector<2000x128xf32>, vector<128x128xf32>, vector<2000x128xf32> -> vector<2000x128xf32>
      %get3A_98 = arith.constant 1 : index
      %get3A_99 = arith.constant 0 : index
      %get3A_100 = vector.load %arg9[%get3A_98, %get3A_99] : memref<16x128xf32, #tpu.memory_space<vmem>>, vector<1x128xf32>
      %add3A_101 = vector.broadcast %get3A_100 : vector<1x128xf32> to vector<2000x128xf32>
      %add3A_102 = arith.addf %dot_general3A_97, %add3A_101 : vector<2000x128xf32>
      %get3A_103 = arith.constant 0 : index
      %get3A_104 = arith.constant 0 : index
      %get3A_105 = vector.load %arg6[%get3A_103, %get3A_104] : memref<128x128xf32, #tpu.memory_space<vmem>>, vector<128x128xf32>
      %dot_general3A_106 = arith.constant dense<0.000000e+00> : vector<2000x128xf32>
      %dot_general3A_107 = tpu.matmul %max3A_86, %get3A_105, %dot_general3A_106 {dimension_numbers = #tpu.dot_dimension_numbers<[1], [0], [0], [1], [0, 0, 1, 1], [], []>, transpose_lhs_hint = false} : vector<2000x128xf32>, vector<128x128xf32>, vector<2000x128xf32> -> vector<2000x128xf32>
      %get3A_108 = arith.constant 1 : index
      %get3A_109 = arith.constant 0 : index
      %get3A_110 = vector.load %arg9[%get3A_108, %get3A_109] : memref<16x128xf32, #tpu.memory_space<vmem>>, vector<1x128xf32>
      %add3A_111 = vector.broadcast %get3A_110 : vector<1x128xf32> to vector<2000x128xf32>
      %add3A_112 = arith.addf %dot_general3A_107, %add3A_111 : vector<2000x128xf32>
      %get3A_113 = arith.constant 0 : index
      %get3A_114 = arith.constant 0 : index
      %get3A_115 = vector.load %arg8[%get3A_113, %get3A_114] : memref<128x128xf32, #tpu.memory_space<vmem>>, vector<128x128xf32>
      %dot_general3A_116 = arith.constant dense<0.000000e+00> : vector<2000x128xf32>
      %dot_general3A_117 = tpu.matmul %max3A_93, %get3A_115, %dot_general3A_116 {dimension_numbers = #tpu.dot_dimension_numbers<[1], [0], [0], [1], [0, 0, 1, 1], [], []>, transpose_lhs_hint = false} : vector<2000x128xf32>, vector<128x128xf32>, vector<2000x128xf32> -> vector<2000x128xf32>
      %get3A_118 = arith.constant 5 : index
      %get3A_119 = arith.constant 0 : index
      %get3A_120 = vector.load %arg9[%get3A_118, %get3A_119] : memref<16x128xf32, #tpu.memory_space<vmem>>, vector<1x128xf32>
      %add3A_121 = vector.broadcast %get3A_120 : vector<1x128xf32> to vector<2000x128xf32>
      %add3A_122 = arith.addf %dot_general3A_117, %add3A_121 : vector<2000x128xf32>
      %add3A_123 = arith.addf %add3A_102, %add3A_122 : vector<2000x128xf32>
      %swap3A = arith.constant 0 : index
      %swap3A_124 = arith.constant 0 : index
      %swap3A_125 = vector.load %arg10[%swap3A, %swap3A_124] : memref<2000x256xf32, #tpu.memory_space<vmem>>, vector<2000x128xf32>
      tpu.vector_store %arg10[%swap3A, %swap3A_124], %add3A_123 {strides = array<i32>} : memref<2000x256xf32, #tpu.memory_space<vmem>>, vector<2000x128xf32>,
      %add3A_126 = arith.addf %add3A_112, %add3A_122 : vector<2000x128xf32>
      %swap3A_127 = arith.constant 0 : index
      %swap3A_128 = arith.constant 128 : index
      %swap3A_129 = vector.load %arg10[%swap3A_127, %swap3A_128] : memref<2000x256xf32, #tpu.memory_space<vmem>>, vector<2000x128xf32>
      tpu.vector_store %arg10[%swap3A_127, %swap3A_128], %add3A_126 {strides = array<i32>} : memref<2000x256xf32, #tpu.memory_space<vmem>>, vector<2000x128xf32>,
    } else {
    }
    return
  }
  func.func @transform_0(%arg0: i32, %arg1: i32) -> (i32, i32) {
    %eq3A = arith.constant 0 : i32
    %eq3A_0 = arith.cmpi eq, %arg0, %eq3A : i32
    %jit3A = arith.constant 0 : i32
    %select_n3A = arith.select %eq3A_0, %arg1, %jit3A : i32
    %c0_i32 = arith.constant 0 : i32
    %c0_i32_1 = arith.constant 0 : i32
    return %select_n3A, %c0_i32 : i32, i32
  }
  func.func @transform_1(%arg0: i32, %arg1: i32) -> (i32, i32) {
    %eq3A = arith.constant 0 : i32
    %eq3A_0 = arith.cmpi eq, %arg0, %eq3A : i32
    %add3A = arith.constant 0 : i32
    %add3A_1 = arith.addi %arg1, %add3A : i32
    %jit3A = arith.constant 0 : i32
    %select_n3A = arith.select %eq3A_0, %add3A_1, %jit3A : i32
    %c0_i32 = arith.constant 0 : i32
    %c0_i32_2 = arith.constant 0 : i32
    return %select_n3A, %c0_i32 : i32, i32
  }
  func.func @transform_2(%arg0: i32, %arg1: i32) -> (i32, i32) {
    %eq3A = arith.constant 0 : i32
    %eq3A_0 = arith.cmpi eq, %arg0, %eq3A : i32
    %add3A = arith.constant 5 : i32
    %add3A_1 = arith.addi %arg1, %add3A : i32
    %jit3A = arith.constant 5 : i32
    %select_n3A = arith.select %eq3A_0, %add3A_1, %jit3A : i32
    %c0_i32 = arith.constant 0 : i32
    %c0_i32_2 = arith.constant 0 : i32
    return %select_n3A, %c0_i32 : i32, i32
  }
  func.func @transform_3(%arg0: i32, %arg1: i32) -> (i32, i32) {
    %c0_i32 = arith.constant 0 : i32
    %c0_i32_0 = arith.constant 0 : i32
    %c0_i32_1 = arith.constant 0 : i32
    return %c0_i32, %c0_i32_0 : i32, i32
  }
  func.func @transform_4(%arg0: i32, %arg1: i32) -> (i32, i32) {
    %c0_i32 = arith.constant 0 : i32
    %c0_i32_0 = arith.constant 0 : i32
    %c0_i32_1 = arith.constant 0 : i32
    return %c0_i32, %c0_i32_0 : i32, i32
  }
  func.func @transform_5(%arg0: i32, %arg1: i32) -> (i32, i32) {
    %c0_i32 = arith.constant 0 : i32
    %c0_i32_0 = arith.constant 0 : i32
    %c0_i32_1 = arith.constant 0 : i32
    return %c0_i32, %c0_i32_0 : i32, i32
  }
  func.func @transform_6(%arg0: i32, %arg1: i32) -> (i32, i32) {
    %c0_i32 = arith.constant 0 : i32
    %c0_i32_0 = arith.constant 0 : i32
    %c0_i32_1 = arith.constant 0 : i32
    return %c0_i32, %c0_i32_0 : i32, i32
  }
  func.func @transform_7(%arg0: i32, %arg1: i32) -> (i32, i32) {
    %c0_i32 = arith.constant 0 : i32
    %c0_i32_0 = arith.constant 0 : i32
    %c0_i32_1 = arith.constant 0 : i32
    return %c0_i32, %c0_i32_0 : i32, i32
  }
  func.func @transform_8(%arg0: i32, %arg1: i32) -> (i32, i32) {
    %eq3A = arith.constant 1 : i32
    %eq3A_0 = arith.cmpi eq, %arg0, %eq3A : i32
    %jit3A = arith.constant 0 : i32
    %select_n3A = arith.select %eq3A_0, %arg1, %jit3A : i32
    %c0_i32 = arith.constant 0 : i32
    %c0_i32_1 = arith.constant 0 : i32
    return %select_n3A, %c0_i32 : i32, i32
  }
}

</mosaic_0001>

<sc_bundles>
// kernel: kernel.4.cloned.1.call-start
scs
__scs_entry_jumppad:
0x0: {  	(pc) =	sbr.rel $0x88, $3  }
0x1: {  	(tag) =	ssettag $0x0;
	lr =	simm.s32 $0x1  }
0x2: {  	[smem:$0x3F91] =	sst lr;
	_ =	strace $0xD0000000  }
0x3: {  	_ = 	snop  }
0x4: {  	_ = 	snop  }
0x5: {  	_ = 	snop  }
0x6: {  	_ = 	snop  }
0x7: {  	_ = 	snop  }
__scs_overlays_trampoline_lowered:
0x8: {  	[smem:$0x3FA0] =	sst s0  }
0x9: {  	[smem:$0x3FA1] =	sst s1  }
0xa: {  	[smem:$0x3FA2] =	sst s2  }
0xb: {  	[smem:$0x3FA3] =	sst s3  }
0xc: {  	[smem:$0x3FA4] =	sst s4  }
0xd: {  	[smem:$0x3FA5] =	sst s5  }
0xe: {  	[smem:$0x3FA6] =	sst s6  }
0xf: {  	[smem:$0x3FA7] =	sst s7  }
0x10: {  	[smem:$0x3FA8] =	sst s8  }
0x11: {  	[smem:$0x3FA9] =	sst s9;
	s0 =	simm.s32 @!p0 $0x0  }
0x12: {  	s1 =	sld [smem:$0x3F8F];
	s0 =	simm.s32 @p0 $0x1  }
0x13: {  	[smem:$0x3FAA] =	sst s0;
	s0 =	simm.s32 @!p1 $0x0  }
0x14: {  	s2 =	sld [smem:$0x3F8E];
	s0 =	simm.s32 @p1 $0x1  }
0x15: {  	[smem:$0x3FAB] =	sst s0;
	s0 =	simm.s32 @!p2 $0x0  }
0x16: {  	s3 =	sld [smem:$0x3FDB];
	s0 =	simm.s32 @p2 $0x1  }
0x17: {  	s4 =	simm.s32 $0x1BF5;
	[smem:$0x3FAD] =	sst s0  }
0x18: {  	s0 =	sld [smem:$0x3F90];
	_ =	swait.ge [sflag:s4], $0x0  }
0x19: {  	s7 =	sld [smem:$0x3F91]  }
0x1a: {  	s8 =	sadd.s32 $0xFFFFE003, lr  }
0x1b: {  	s9 =	sadd.s32 $0xFFFFFEF7, lr;
	s5 =	simm.s32 $0xFFFFFFFF;
	p2 =	slt.u32 s8, $0xFFFFF086  }
0x1c: {  	p1 =	slt.u32 s9, $0xF7A;
	s5 =	simm.s32 @!p2 $0x0  }
0x1d: {  	s5 =	simm.s32 @p1 $0x1;
	p0 =	seq.s32 s7, s2  }
0x1e: {  	s7 =	smul.u32 @!p0 $0xF7A, s2;
	p2 =	seq.s32 @!p0 s5, $0x0  }
0x1f: {  	s9 =	smul.u32 $0xF7A, s1;
	s8 =	simm.s32 @!p0 $0x1BF5;
	p2 =	por !p2, p0  }
0x20: {  	[sflag:s8] =	ssyncset.s32 @!p0 $0xFFFFF086;
	s6 =	sadd.s32 @!p0 s3, s7;
	s7 =	simm.s32 @!p0 $0x108  }
0x21: {  	s3 =	sadd.s32 s3, s9;
	s6 =	sadd.s32 @!p0 $0x88, s6;
	s7 =	simm.s32 @p2 $0x1082  }
0x22: {  	[simem:s7], [sflag:s8] =	dma.local @!p0 [hbm:s6], $0xF7A  }
0x23: {  	s9 =	sor.u32 $0xD0000000, s2;
	s6 =	simm.s32 $0x108;
	_ =	swait.ge @!p0 [sflag:s8], $0x0  }
0x24: {  	s3 =	sadd.s32 $0x88, s3;
	s6 =	simm.s32 @!p1 $0x1082;
	[sflag:s4] =	ssyncset.s32 $0xFFFFF086  }
0x25: {  	[simem:s6], [sflag:s4] =	dma.local [hbm:s3], $0xF7A  }
0x26: {  	[smem:$0x3F91] =	sst s1;
	(tag) =	ssettag s2;
	_ =	strace s9  }
0x27: {  	s1 =	sld [smem:$0x3FA1]  }
0x28: {  	s2 =	sld [smem:$0x3FA2]  }
0x29: {  	s4 =	sld [smem:$0x3FA4]  }
0x2a: {  	p0 =	seq.s32 s5, $0x0;
	s5 =	sld [smem:$0x3FA5]  }
0x2b: {  	s6 =	sld [smem:$0x3FA6]  }
0x2c: {  	s7 =	sld [smem:$0x3FA7]  }
0x2d: {  	s3 =	simm.s32 $0x108;
	s8 =	sld [smem:$0x3FA8]  }
0x2e: {  	s3 =	simm.s32 @!p0 $0x1082;
	s9 =	sld [smem:$0x3FA9]  }
0x2f: {  	lr =	sadd.s32 s0, s3;
	s0 =	sld [smem:$0x3FA0]  }
0x30: {  	s3 =	sld [smem:$0x3FA3]  }
0x31: {  	[smem:$0x3FAC] =	sst s10  }
0x32: {  	s10 =	sld [smem:$0x3FAA];
	_ =	sdelay $0x3  }
0x33: {  	p0 =	seq.s32 s10, $0x1;
	s10 =	sld [smem:$0x3FAC];
	_ =	sdelay $0x3  }
0x34: {  	[smem:$0x3FAC] =	sst s10  }
0x35: {  	s10 =	sld [smem:$0x3FAB];
	_ =	sdelay $0x3  }
0x36: {  	p1 =	seq.s32 s10, $0x1;
	s10 =	sld [smem:$0x3FAC];
	_ =	sdelay $0x3  }
0x37: {  	[smem:$0x3FAC] =	sst s10  }
0x38: {  	s10 =	sld [smem:$0x3FAD]  }
0x39: {  	_ = 	snop;
	(pc) =	sbr.ind lr, $3  }
0x3a: {  	_ = 	snop  }
0x3b: {  	_ = 	snop  }
0x3c: {  	p2 =	seq.s32 s10, $0x1;
	s10 =	sld [smem:$0x3FAC]  }
0x3d: {  	_ =	shalt  }
0x3e: {  	_ =	shalt  }
0x3f: {  	_ =	shalt  }
0x40: {  	_ =	shalt  }
0x41: {  	_ =	shalt  }
0x42: {  	_ =	shalt  }
0x43: {  	_ =	shalt  }
0x44: {  	_ =	shalt  }
0x45: {  	_ =	shalt  }
0x46: {  	_ =	shalt  }
0x47: {  	_ =	shalt  }
0x48: {  	_ =	shalt  }
0x49: {  	_ =	shalt  }
0x4a: {  	_ =	shalt  }
0x4b: {  	_ =	shalt  }
0x4c: {  	_ =	shalt  }
0x4d: {  	_ =	shalt  }
0x4e: {  	_ =	shalt  }
0x4f: {  	_ =	shalt  }
0x50: {  	_ =	shalt  }
0x51: {  	_ =	shalt  }
0x52: {  	_ =	shalt  }
0x53: {  	_ =	shalt  }
0x54: {  	_ =	shalt  }
0x55: {  	_ =	shalt  }
0x56: {  	_ =	shalt  }
0x57: {  	_ =	shalt  }
0x58: {  	_ =	shalt  }
0x59: {  	_ =	shalt  }
0x5a: {  	_ =	shalt  }
0x5b: {  	_ =	shalt  }
0x5c: {  	_ =	shalt  }
0x5d: {  	_ =	shalt  }
0x5e: {  	_ =	shalt  }
0x5f: {  	_ =	shalt  }
0x60: {  	_ =	shalt  }
0x61: {  	_ =	shalt  }
0x62: {  	_ =	shalt  }
0x63: {  	_ =	shalt  }
0x64: {  	_ =	shalt  }
0x65: {  	_ =	shalt  }
0x66: {  	_ =	shalt  }
0x67: {  	_ =	shalt  }
0x68: {  	_ =	shalt  }
0x69: {  	_ =	shalt  }
0x6a: {  	_ =	shalt  }
0x6b: {  	_ =	shalt  }
0x6c: {  	_ =	shalt  }
0x6d: {  	_ =	shalt  }
0x6e: {  	_ =	shalt  }
0x6f: {  	_ =	shalt  }
0x70: {  	_ =	shalt  }
0x71: {  	_ =	shalt  }
0x72: {  	_ =	shalt  }
0x73: {  	_ =	shalt  }
0x74: {  	_ =	shalt  }
0x75: {  	_ =	shalt  }
0x76: {  	_ =	shalt  }
0x77: {  	_ =	shalt  }
0x78: {  	_ =	shalt  }
0x79: {  	_ =	shalt  }
0x7a: {  	_ =	shalt  }
0x7b: {  	_ =	shalt  }
0x7c: {  	_ =	shalt  }
0x7d: {  	_ =	shalt  }
0x7e: {  	_ =	shalt  }
0x7f: {  	_ =	shalt  }
0x80: {  	_ =	shalt  }
0x81: {  	_ =	shalt  }
0x82: {  	_ =	shalt  }
0x83: {  	_ =	shalt  }
0x84: {  	_ =	shalt  }
0x85: {  	_ =	shalt  }
0x86: {  	_ =	shalt  }
0x87: {  	_ =	shalt  }
.Lfunc_end0:
.L_simem_size_0:
called_computation_lowered:
.L_overlay_start_0:
0x88: {  	s2 =	sld [smem:$0x3FD9]  }
0x89: {  	s3 =	sld [smem:$0x3FFE];
	_ =	sdelay $0x1  }
0x8a: {  	s1 =	srdreg.scid  }
0x8b: {  	s0 =	sand.u32 $0x1, s1  }
0x8c: {  	s17 =	sshll.u32 s0, $0xA;
	s2 =	sadd.s32 s3, s2  }
0x8d: {  	s2 =	sadd.s32 s2, s17  }
0x8e: {  	[smem:$0x3FB8] =	sst s2  }
0x8f: {  	_ = 	snop  }
0x90: {  	s2 =	sld [smem:$0x3FC9]  }
0x91: {  	s18 =	sld [smem:$0x3FD0];
	(tm) =	ssettm $0x1  }
0x92: {  	s4 =	sld [smem:$0x3FFB];
	_ =	sdelay $0x3  }
0x93: {  	_ =	strace s4  }
0x94: {  	s4 =	sld [smem:$0x3FFC];
	_ =	sdelay $0x3  }
0x95: {  	_ =	strace s4  }
0x96: {  	s4 =	sld [smem:$0x3FFD];
	_ =	sdelay $0x3  }
0x97: {  	_ =	strace s4  }
0x98: {  	_ =	strace $0x8FFFFFFF  }
0x99: {  	s19 =	sld [smem:$0x3FDB];
	_ =	sdelay $0x1  }
0x9a: {  	s5 =	simm.s32 $_scs_section_size  }
0x9b: {  	s6 =	simm.s32 $_size__tile_overlayer_lowered;
	s7 =	simm.s32 $_tile_overlayer_lowered  }
0x9c: {  	s22 =	simm.s32 $0x1BFF;
	s21 =	sshll.u32 s7, $0x1;
	s4 =	sadd.s32 s5, s19  }
0x9d: {  	s8 =	simm.s32 $0x0;
	s20 =	sshll.u32 s6, $0x1;
	s6 =	sadd.s32 s21, s4  }
0x9e: {  	[timem:s8], [sflag:s22] =	dma.local [hbm:s6], s20  }
0x9f: {  	_ =	swait.ge [sflag:s22], s20  }
0xa0: {  	s5 =	ssub.s32 $0x0, s20;
	[sflag:s22] =	ssyncset.done $0x0  }
0xa1: {  	[sflag:s22] =	ssyncadd.s32 s5;
	_ =	sdelay $0x1  }
0xa2: {  	s23 =	simm.s32 $0x1B8B  }
0xa3: {  	_ =	swait.ge [sflag:s23], $0x1  }
0xa4: {  	[sflag:s23] =	ssyncset.done $0x0  }
0xa5: {  	s25 =	simm.s32 $0x1B8E;
	s24 =	sld [smem:$0x3FFE];
	[sflag:s23] =	ssyncadd.s32 $0xFFFFFFFF  }
0xa6: {  	s26 =	simm.s32 $execute0_lowered;
	[smem:$0x3FD2] =	sst s25  }
0xa7: {  	s6 =	sshll.u32 s26, $0x1;
	_ =	strace $0x80000046;
	[dreg:$0x1] =	wrdreg $0xFFFFFFFF  }
0xa8: {  	s28 =	simm.s32 $_size_execute0_lowered;
	s4 =	sadd.s32 s4, s6;
	[dreg:$0x0] =	wrdreg $0x0  }
0xa9: {  	s6 =	sshll.u32 s28, $0x1;
	[dreg:$0x2] =	wrdreg s4  }
0xaa: {  	[dreg:$0x3] =	wrdreg s6  }
0xab: {  	[dreg:$0x4] =	wrdreg $0xC0  }
0xac: {  	_ =	task [dreg:s8], $0x5FFFF  }
0xad: {  	[dreg:$0x1] =	wrdreg $0xFFFFFFFF  }
0xae: {  	[dreg:$0x0] =	wrdreg $0x60  }
0xaf: {  	[dreg:$0x2] =	wrdreg s18  }
0xb0: {  	[dreg:$0x3] =	wrdreg s2  }
0xb1: {  	[dreg:$0x4] =	wrdreg s24  }
0xb2: {  	[dreg:$0x5] =	wrdreg $0x29800  }
0xb3: {  	[dreg:$0x6] =	wrdreg $0x9  }
0xb4: {  	_ =	task.clear_ibuf [dreg:s8], $0x7FFFF;
	_ =	strace $0x90000046  }
0xb5: {  	s29 =	simm.s32 $0x9;
	_ =	strace $0x80000048  }
0xb6: {  	_ =	swait.ge [sflag:s29], $0x1  }
0xb7: {  	[sflag:s29] =	ssyncadd.s32 $0xFFFFFFFF  }
0xb8: {  	_ =	strace $0x90000048  }
0xb9: {  	_ =	sfence  }
0xba: {  	s30 =	sld [smem:$0x0];
	_ =	sdelay $0x2  }
0xbb: {  	s31 =	sshll.u32 s1, $0xD;
	s1 =	sshrl.u32 s1, $0x2  }
0xbc: {  	s3 =	sand.u32 $0x4000, s31;
	s1 =	sadd.s32 s1, s30  }
0xbd: {  	s0 =	sor.u32 s3, s0;
	s1 =	sshll.u32 s1, $0x11  }
0xbe: {  	s0 =	sor.u32 s1, s0  }
0xbf: {  	s0 =	sadd.s32 $0x8F2B, s0  }
0xc0: {  	[sflag:s0] =	ssyncadd.remote.s32 $0x1  }
0xc1: {  	_ =	sfence.sel $0xFFFF  }
0xc2: {  	[dreg:$0x0] =	wrdreg $0xFFFFFFFF;
	(pc) =	sbr.abs _section_cstart, $3  }
0xc3: {  	[dreg:$0x1] =	wrdreg $0xFFFFFFFF  }
0xc4: {  	_ =	task.clear_ibuf [dreg:s8], $0x2FFFF;
	_ =	strace $0x9FFFFFFF  }
0xc5: {  	(tm) =	ssettm $0x7FFFFFFF  }
tec
execute0_lowered:
.L_overlay_start_1:
0x0: {  	(tag) =	ssettag $0x1  }
0x1: {  	s0 =	srdreg.scid  }
0x2: {  	s1 =	stileid.u32;
	s6 =	rddreg [dreg:$0x1]  }
0x3: {  	s7 =	rddreg [dreg:$0x2];
	s28 =	simm.s32 $0x16200;
	s29 =	simm.s32 $0x2780  }
0x4: {  	s30 =	simm.s32 $0x18A00;
	s31 =	simm.s32 $0x2800;
	s9 =	smul.u32 $0x4E000, s1  }
0x5: {  	s5 =	sand.u32 $0x1, s0;
	s0 =	rddreg [dreg:$0x0];
	s11 =	smul.u32 $0x27000, s1  }
0x6: {  	s2 =	sshrl.u32 s1, $0x3;
	s8 =	sshll.u32 s1, $0x7;
	s26 =	smul.u32 $0x2700, s1  }
0x7: {  	s12 =	sadd.s32 $0x14000, s7;
	s17 =	sshll.u32 s1, $0x6;
	s3 =	smul.u32 $0x27800, s5  }
0x8: {  	s19 =	sshll.u32 s1, $0xB;
	p0 =	sne.s32 s1, $0x0;
	s4 =	smul.u32 $0x13C00, s2  }
0x9: {  	s2 =	rddreg [dreg:$0x3];
	s8 =	sand.u32 $0x380, s8;
	s10 =	ssub.s32 $0x2, s5  }
0xa: {  	s13 =	sshll.u32 s5, $0xA;
	s18 =	sshll.u32 s5, $0x7;
	s20 =	smul.u32 $0x27100, s5  }
0xb: {  	s5 =	smul.u32 $0x138800, s5;
	s23 =	sshrl.u32 s10, $0x1;
	s24 =	sshrl.u32 s9, $0x2  }
0xc: {  	s25 =	sor.u32 s13, s11;
	s15 =	sadd.s32 $0x138000, s2;
	s11 =	sshll.u32 s1, $0xE  }
0xd: {  	s9 =	simm.s32 $0x2;
	s13 =	simm.s32 $0x4;
	s4 =	sadd.s32 s3, s4  }
0xe: {  	s3 =	simm.s32 $0x0;
	s10 =	ssub.s32 s10, s23;
	s14 =	sadd.s32 s24, s2  }
0xf: {  	s16 =	sshrl.u32 s25, $0x3;
	s25 =	sadd.s32 s26, s20;
	s5 =	sshrl.u32 s5, $0x3  }
0x10: {  	s20 =	simm.s32 $0x8;
	s4 =	sor.u32 s8, s4;
	[smem:$0x7FF] =	sst s3  }
0x11: {  	s5 =	sadd.s32 s12, s5;
	s26 =	smax.u32 s10, $0x1;
	s10 =	sshrl.u32 s14, $0x3  }
0x12: {  	s4 =	sshrl.u32 s4, $0x3;
	_ =	strace $0x80000047;
	[dreg:$0x6] =	wrdreg s17  }
0x13: {  	s5 =	sadd.s32 $0x27000, s5;
	[dreg:$0x11] =	wrdreg s26;
	s22 =	sadd.s32 s4, s7  }
0x14: {  	s4 =	sadd.s32 $0xC000, s7;
	s7 =	sadd.s32 s6, s16;
	[dreg:$0x10] =	wrdreg s5  }
0x15: {  	s6 =	sadd.s32 s18, s6;
	[dreg:$0x5] =	wrdreg s7;
	s7 =	sor.u32 $0x1C0A, s17  }
0x16: {  	s8 =	simm.s32 $0x7;
	s6 =	sadd.s32 $0x4E000, s6;
	[dreg:$0x7] =	wrdreg s7  }
0x17: {  	s14 =	simm.s32 $0x5;
	s21 =	sadd.s32 $0x2200, s22;
	[dreg:$0x8] =	wrdreg s6  }
0x18: {  	s26 =	simm.s32 $0x50;
	s22 =	sadd.s32 s4, s19;
	[dreg:$0x9] =	wrdreg s21  }
0x19: {  	s5 =	simm.s32 $0x1;
	s6 =	sadd.s32 $0x10, s22;
	[dreg:$0xa] =	wrdreg s22  }
0x1a: {  	s16 =	simm.s32 $0x0;
	s23 =	sadd.s32 $0x20, s22;
	[dreg:$0xb] =	wrdreg s6  }
0x1b: {  	s24 =	sadd.s32 $0x7B0, s22;
	s7 =	sadd.s32 $0x7C0, s22;
	[dreg:$0xc] =	wrdreg s23  }
0x1c: {  	s21 =	sshrl.u32 @!p0 s15, $0x3;
	s22 =	simm.s32 $0x1B200;
	[dreg:$0xd] =	wrdreg s24  }
0x1d: {  	s15 =	simm.s32 $0x6;
	[dreg:$0xe] =	wrdreg s7;
	s6 =	sadd.s32 s12, s25  }
0x1e: {  	s25 =	simm.s32 $0xB;
	s24 =	simm.s32 $0x2880;
	[dreg:$0x12] =	wrdreg s21  }
0x1f: {  	s12 =	simm.s32 $0x9;
	[dreg:$0xf] =	wrdreg s6;
	s6 =	simm.s32 $0x3  }
.LBB2_1:
0x20: {  	s1 =	rddreg [dreg:$0x5]  }
0x21: {  	s7 =	rddreg [dreg:$0x7];
	s19 =	simm.s32 $0x80;
	s17 =	simm.s32 $0x100  }
0x22: {  	[spmem:s10@s19], [sflag:s7] =	dma.strided [hbm:s1@s17], $0x2700, s20, $0x10   }
0x23: {  	s23 =	smov.u32 s10;
	s1 =	simm.s32 @!p0 $0x8  }
0x24: {  	s10 =	simm.s32 @!p0 $0x80;
	s17 =	simm.s32 @!p0 $0x100;
	s18 =	rddreg [dreg:$0x8]  }
0x25: {  	[spmem:s21@s10], [sflag:s7] =	dma.strided @!p0 [hbm:s18@s17], $0x100, s1, $0x10   }
0x26: {  	s18 =	simm.s32 $0x400;
	s1 =	rddreg [dreg:$0x9]  }
0x27: {  	[tilespmem:s3], [sflag:$0xB] =	stream.strided.gather [hbm4b:s1+s19], $0x2780, s18, s19, $0x38;
	[tilespmem:$0x1DA00] =	vst v63  }
0x28: {  	_ =	swait.ge [sflag:s25], $0x2780  }
0x29: {  	[sflag:s25] =	ssyncset.done $0x0  }
0x2a: {  	[sflag:s25] =	ssyncadd.s32 $0xFFFFD880  }
0x2b: {  	[tilespmem:s28], [sflag:$0x1] =	stream.indirect.gather [hbm4b:s0+s26], $0x80, s3, s26, $0xb8;
	[tilespmem:$0x1DA00] =	vst v63  }
0x2c: {  	s21 =	rddreg [dreg:$0xa]  }
0x2d: {  	[tilespmem:s29], [sflag:$0x7] =	stream.linear.gather [hbm4b:s21+s3], $0x80, $0x38;
	[tilespmem:$0x1DA00] =	vst v63  }
0x2e: {  	_ = 	snop  }
0x2f: {  	[tilespmem:s30], [sflag:$0x2] =	stream.indirect.gather [hbm4b:s0+s26], $0x80, s26, s26, $0xb8;
	[tilespmem:$0x1DA00] =	vst v63  }
0x30: {  	s7 =	rddreg [dreg:$0xb]  }
0x31: {  	[tilespmem:s31], [sflag:$0x8] =	stream.linear.gather [hbm4b:s7+s3], $0x80, $0x38;
	[tilespmem:$0x1DA00] =	vst v63  }
0x32: {  	s10 =	simm.s32 $0xA0  }
0x33: {  	[tilespmem:s22], [sflag:$0x3] =	stream.indirect.gather [hbm4b:s0+s26], $0x80, s10, s26, $0xb8;
	[tilespmem:$0x1DA00] =	vst v63  }
0x34: {  	s18 =	simm.s32 $0xA;
	s17 =	rddreg [dreg:$0xc]  }
0x35: {  	[tilespmem:s24], [sflag:$0x9] =	stream.linear.gather [hbm4b:s17+s3], $0x80, $0x38;
	[tilespmem:$0x1DA00] =	vst v63  }
0x36: {  	_ =	swait.ge [sflag:s18], $0x2700  }
0x37: {  	[sflag:s18] =	ssyncset.done $0x0  }
0x38: {  	s1 =	simm.s32 @!p0 $0xA;
	[sflag:s18] =	ssyncadd.s32 $0xFFFFD900  }
0x39: {  	_ =	swait.ge @!p0 [sflag:s1], $0x100  }
0x3a: {  	[sflag:s1] =	ssyncset.done @!p0 $0x0  }
0x3b: {  	[sflag:s1] =	ssyncadd.s32 @!p0 $0xFFFFFF00  }
0x3c: {  	[bflag:$0x0] =	sbarrier.arrive $0xFFFF  }
0x3d: {  	_ =	swait.ge [sflag:s5], $0x2800  }
0x3e: {  	[sflag:s5] =	ssyncset.done $0x0  }
0x3f: {  	[sflag:s5] =	ssyncadd.s32 $0xFFFFD800  }
0x40: {  	_ =	swait.ge [sflag:s8], $0x80  }
0x41: {  	[sflag:s8] =	ssyncset.done $0x0  }
0x42: {  	[sflag:s8] =	ssyncadd.s32 $0xFFFFFF80  }
0x43: {  	[spmem:s2] =	stream.indirect.scatter.add.f32 [tilespmem:s28], [sflag:$0x4], $0x80, s29, s26, $0xb8;
	[tilespmem:$0x1DA00] =	vst v63  }
0x44: {  	_ =	swait.ge [sflag:s9], $0x2800  }
0x45: {  	[sflag:s9] =	ssyncset.done $0x0  }
0x46: {  	[sflag:s9] =	ssyncadd.s32 $0xFFFFD800  }
0x47: {  	_ =	swait.ge [sflag:s20], $0x80  }
0x48: {  	[sflag:s20] =	ssyncset.done $0x0  }
0x49: {  	[sflag:s20] =	ssyncadd.s32 $0xFFFFFF80  }
0x4a: {  	[spmem:s2] =	stream.indirect.scatter.add.f32 [tilespmem:s30], [sflag:$0x5], $0x80, s31, s26, $0xb8;
	[tilespmem:$0x1DA00] =	vst v63  }
0x4b: {  	_ =	swait.ge [sflag:s6], $0x2800  }
0x4c: {  	[sflag:s6] =	ssyncset.done $0x0  }
0x4d: {  	[sflag:s6] =	ssyncadd.s32 $0xFFFFD800  }
0x4e: {  	_ =	swait.ge [sflag:s12], $0x80  }
0x4f: {  	s19 =	simm.s32 $0x180;
	[sflag:s12] =	ssyncset.done $0x0  }
0x50: {  	s21 =	sand.u32 $0xFC00, s19;
	[sflag:s12] =	ssyncadd.s32 $0xFFFFFF80  }
0x51: {  	[spmem:s2] =	stream.indirect.scatter.add.f32 [tilespmem:s22], [sflag:$0x6], $0x80, s24, s26, $0xb8;
	[tilespmem:$0x1DA00] =	vst v63  }
0x52: {  	s10 =	sadd.s32 s11, s21;
	s1 =	sand.u32 $0x380, s19;
	_ =	swait.ge [sflag:s13], $0x2800  }
0x53: {  	s7 =	simm.s32 $0xF0;
	s1 =	sor.u32 s1, s10;
	[sflag:s13] =	ssyncset.done $0x0  }
0x54: {  	s17 =	simm.s32 $0x200;
	s1 =	sshrl.u32 s1, $0x3;
	[sflag:s13] =	ssyncadd.s32 $0xFFFFD800  }
0x55: {  	[tilespmem:s28], [sflag:$0x1] =	stream.indirect.gather [hbm4b:s0+s26], $0x80, s7, s26, $0xb8;
	[tilespmem:$0x1DA00] =	vst v63  }
0x56: {  	s18 =	sand.u32 $0xFC00, s17;
	s1 =	sadd.s32 s4, s1  }
0x57: {  	[tilespmem:s29], [sflag:$0x7] =	stream.linear.gather [hbm4b:s1+s3], $0x80, $0x38;
	[tilespmem:$0x1DA00] =	vst v63  }
0x58: {  	s10 =	sand.u32 $0x380, s17;
	s1 =	sadd.s32 s11, s18;
	_ =	swait.ge [sflag:s14], $0x2800  }
0x59: {  	s21 =	simm.s32 $0x280;
	s1 =	sor.u32 s10, s1;
	[sflag:s14] =	ssyncset.done $0x0  }
0x5a: {  	s19 =	simm.s32 $0x140;
	s1 =	sshrl.u32 s1, $0x3;
	[sflag:s14] =	ssyncadd.s32 $0xFFFFD800  }
0x5b: {  	[tilespmem:s30], [sflag:$0x2] =	stream.indirect.gather [hbm4b:s0+s26], $0x80, s19, s26, $0xb8;
	[tilespmem:$0x1DA00] =	vst v63  }
0x5c: {  	s17 =	simm.s32 $0x190;
	s7 =	sand.u32 $0xFC00, s21;
	s1 =	sadd.s32 s4, s1  }
0x5d: {  	[tilespmem:s31], [sflag:$0x8] =	stream.linear.gather [hbm4b:s1+s3], $0x80, $0x38;
	[tilespmem:$0x1DA00] =	vst v63  }
0x5e: {  	s10 =	sand.u32 $0x380, s21;
	s19 =	sadd.s32 s11, s7;
	_ =	swait.ge [sflag:s15], $0x2800  }
0x5f: {  	s18 =	simm.s32 $0x280;
	s1 =	sor.u32 s10, s19;
	[sflag:s15] =	ssyncset.done $0x0  }
0x60: {  	s21 =	simm.s32 $0x400;
	s1 =	sshrl.u32 s1, $0x3;
	[sflag:s15] =	ssyncadd.s32 $0xFFFFD800  }
.LBB2_2:
0x61: {  	[tilespmem:s22], [sflag:$0x3] =	stream.indirect.gather [hbm4b:s0+s26], $0x80, s17, s26, $0xb8;
	[tilespmem:$0x1DA00] =	vst v63  }
0x62: {  	s10 =	smov.u32 s21;
	s17 =	smov.u32 s18  }
0x63: {  	p1 =	sne.s32 s21, $0x3D00;
	s21 =	sadd.s32 $0x180, s21;
	s1 =	sadd.s32 s4, s1  }
0x64: {  	[tilespmem:s24], [sflag:$0x9] =	stream.linear.gather [hbm4b:s1+s3], $0x80, $0x38;
	[tilespmem:$0x1DA00] =	vst v63  }
0x65: {  	_ =	swait.ge [sflag:s5], $0x2800  }
0x66: {  	[sflag:s5] =	ssyncset.done $0x0  }
0x67: {  	[sflag:s5] =	ssyncadd.s32 $0xFFFFD800  }
0x68: {  	_ =	swait.ge [sflag:s8], $0x80  }
0x69: {  	[sflag:s8] =	ssyncset.done $0x0  }
0x6a: {  	[sflag:s8] =	ssyncadd.s32 $0xFFFFFF80  }
0x6b: {  	[spmem:s2] =	stream.indirect.scatter.add.f32 [tilespmem:s28], [sflag:$0x4], $0x80, s29, s26, $0xb8;
	[tilespmem:$0x1DA00] =	vst v63  }
0x6c: {  	_ =	swait.ge [sflag:s9], $0x2800  }
0x6d: {  	[sflag:s9] =	ssyncset.done $0x0  }
0x6e: {  	[sflag:s9] =	ssyncadd.s32 $0xFFFFD800  }
0x6f: {  	_ =	swait.ge [sflag:s20], $0x80  }
0x70: {  	[sflag:s20] =	ssyncset.done $0x0  }
0x71: {  	[sflag:s20] =	ssyncadd.s32 $0xFFFFFF80  }
0x72: {  	[spmem:s2] =	stream.indirect.scatter.add.f32 [tilespmem:s30], [sflag:$0x5], $0x80, s31, s26, $0xb8;
	[tilespmem:$0x1DA00] =	vst v63  }
0x73: {  	_ =	swait.ge [sflag:s6], $0x2800  }
0x74: {  	[sflag:s6] =	ssyncset.done $0x0  }
0x75: {  	[sflag:s6] =	ssyncadd.s32 $0xFFFFD800  }
0x76: {  	_ =	swait.ge [sflag:s12], $0x80  }
0x77: {  	s1 =	sadd.s32 $0xFFFFFF00, s10;
	[sflag:s12] =	ssyncset.done $0x0  }
0x78: {  	s7 =	sand.u32 $0xFC00, s1;
	[sflag:s12] =	ssyncadd.s32 $0xFFFFFF80  }
0x79: {  	[spmem:s2] =	stream.indirect.scatter.add.f32 [tilespmem:s22], [sflag:$0x6], $0x80, s24, s26, $0xb8;
	[tilespmem:$0x1DA00] =	vst v63  }
0x7a: {  	s1 =	sand.u32 $0x380, s1;
	s7 =	sadd.s32 s11, s7;
	_ =	swait.ge [sflag:s13], $0x2800  }
0x7b: {  	s19 =	sadd.s32 $0xFFFFFF60, s18;
	s1 =	sor.u32 s1, s7;
	[sflag:s13] =	ssyncset.done $0x0  }
0x7c: {  	s1 =	sshrl.u32 s1, $0x3;
	[sflag:s13] =	ssyncadd.s32 $0xFFFFD800  }
0x7d: {  	[tilespmem:s28], [sflag:$0x1] =	stream.indirect.gather [hbm4b:s0+s26], $0x80, s19, s26, $0xb8;
	[tilespmem:$0x1DA00] =	vst v63  }
0x7e: {  	s7 =	sadd.s32 $0xFFFFFF80, s10;
	s1 =	sadd.s32 s4, s1  }
0x7f: {  	[tilespmem:s29], [sflag:$0x7] =	stream.linear.gather [hbm4b:s1+s3], $0x80, $0x38;
	[tilespmem:$0x1DA00] =	vst v63  }
0x80: {  	s1 =	sand.u32 $0xFC00, s7;
	s7 =	sand.u32 $0x380, s7;
	_ =	swait.ge [sflag:s14], $0x2800  }
0x81: {  	s1 =	sadd.s32 s11, s1;
	[sflag:s14] =	ssyncset.done $0x0  }
0x82: {  	s19 =	sadd.s32 $0xFFFFFFB0, s18;
	s1 =	sor.u32 s7, s1;
	[sflag:s14] =	ssyncadd.s32 $0xFFFFD800  }
0x83: {  	[tilespmem:s30], [sflag:$0x2] =	stream.indirect.gather [hbm4b:s0+s26], $0x80, s19, s26, $0xb8;
	[tilespmem:$0x1DA00] =	vst v63  }
0x84: {  	s1 =	sshrl.u32 s1, $0x3  }
.Ltmp0:
0x85: {  	s7 =	sand.u32 $0xFC00, s10;
	s1 =	sadd.s32 s4, s1;
	(pc) =	sbr.rel @p1 .LBB2_2-.Ltmp0, $4  }
0x86: {  	[tilespmem:s31], [sflag:$0x8] =	stream.linear.gather [hbm4b:s1+s3], $0x80, $0x38;
	[tilespmem:$0x1DA00] =	vst v63  }
0x87: {  	s1 =	sadd.s32 s11, s7;
	s7 =	sand.u32 $0x380, s10;
	_ =	swait.ge [sflag:s15], $0x2800  }
0x88: {  	s1 =	sor.u32 s7, s1;
	[sflag:s15] =	ssyncset.done $0x0  }
0x89: {  	s18 =	sadd.s32 $0xF0, s18;
	s1 =	sshrl.u32 s1, $0x3;
	[sflag:s15] =	ssyncadd.s32 $0xFFFFD800  }
0x8a: {  	[tilespmem:s22], [sflag:$0x3] =	stream.indirect.gather [hbm4b:s0+s26], $0x80, s17, s26, $0xb8;
	[tilespmem:$0x1DA00] =	vst v63  }
0x8b: {  	s1 =	sadd.s32 s4, s1  }
0x8c: {  	[tilespmem:s24], [sflag:$0x9] =	stream.linear.gather [hbm4b:s1+s3], $0x80, $0x38;
	[tilespmem:$0x1DA00] =	vst v63  }
0x8d: {  	_ =	swait.ge [sflag:s5], $0x2800  }
0x8e: {  	[sflag:s5] =	ssyncset.done $0x0  }
0x8f: {  	[sflag:s5] =	ssyncadd.s32 $0xFFFFD800  }
0x90: {  	_ =	swait.ge [sflag:s8], $0x80  }
0x91: {  	[sflag:s8] =	ssyncset.done $0x0  }
0x92: {  	[sflag:s8] =	ssyncadd.s32 $0xFFFFFF80  }
0x93: {  	[spmem:s2] =	stream.indirect.scatter.add.f32 [tilespmem:s28], [sflag:$0x4], $0x80, s29, s26, $0xb8;
	[tilespmem:$0x1DA00] =	vst v63  }
0x94: {  	_ =	swait.ge [sflag:s9], $0x2800  }
0x95: {  	[sflag:s9] =	ssyncset.done $0x0  }
0x96: {  	[sflag:s9] =	ssyncadd.s32 $0xFFFFD800  }
0x97: {  	_ =	swait.ge [sflag:s20], $0x80  }
0x98: {  	[sflag:s20] =	ssyncset.done $0x0  }
0x99: {  	[sflag:s20] =	ssyncadd.s32 $0xFFFFFF80  }
0x9a: {  	[spmem:s2] =	stream.indirect.scatter.add.f32 [tilespmem:s30], [sflag:$0x5], $0x80, s31, s26, $0xb8;
	[tilespmem:$0x1DA00] =	vst v63  }
0x9b: {  	_ =	swait.ge [sflag:s6], $0x2800  }
0x9c: {  	[sflag:s6] =	ssyncset.done $0x0  }
0x9d: {  	[sflag:s6] =	ssyncadd.s32 $0xFFFFD800  }
0x9e: {  	_ =	swait.ge [sflag:s12], $0x80  }
0x9f: {  	[sflag:s12] =	ssyncset.done $0x0  }
0xa0: {  	[sflag:s12] =	ssyncadd.s32 $0xFFFFFF80  }
0xa1: {  	[spmem:s2] =	stream.indirect.scatter.add.f32 [tilespmem:s22], [sflag:$0x6], $0x80, s24, s26, $0xb8;
	[tilespmem:$0x1DA00] =	vst v63  }
0xa2: {  	_ =	swait.ge [sflag:s13], $0x2800  }
0xa3: {  	[sflag:s13] =	ssyncset.done $0x0  }
0xa4: {  	[sflag:s13] =	ssyncadd.s32 $0xFFFFD800  }
0xa5: {  	_ =	swait.ge [sflag:s14], $0x2800  }
0xa6: {  	[sflag:s14] =	ssyncset.done $0x0  }
0xa7: {  	[sflag:s14] =	ssyncadd.s32 $0xFFFFD800  }
0xa8: {  	_ =	swait.ge [sflag:s15], $0x2800  }
0xa9: {  	[sflag:s15] =	ssyncset.done $0x0  }
0xaa: {  	s10 =	simm.s32 $0x2670;
	[sflag:s15] =	ssyncadd.s32 $0xFFFFD800  }
0xab: {  	[tilespmem:s28], [sflag:$0x1] =	stream.indirect.gather [hbm4b:s0+s26], $0x80, s10, s26, $0xb8;
	[tilespmem:$0x1DA00] =	vst v63  }
0xac: {  	s17 =	rddreg [dreg:$0xd]  }
0xad: {  	[tilespmem:s29], [sflag:$0x7] =	stream.linear.gather [hbm4b:s17+s3], $0x80, $0x38;
	[tilespmem:$0x1DA00] =	vst v63  }
0xae: {  	_ =	swait.ge [sflag:s5], $0x2800  }
0xaf: {  	[sflag:s5] =	ssyncset.done $0x0  }
0xb0: {  	[sflag:s5] =	ssyncadd.s32 $0xFFFFD800  }
0xb1: {  	_ =	swait.ge [sflag:s8], $0x80  }
0xb2: {  	[sflag:s8] =	ssyncset.done $0x0  }
0xb3: {  	[sflag:s8] =	ssyncadd.s32 $0xFFFFFF80  }
0xb4: {  	[spmem:s2] =	stream.indirect.scatter.add.f32 [tilespmem:s28], [sflag:$0x4], $0x80, s29, s26, $0xb8;
	[tilespmem:$0x1DA00] =	vst v63  }
0xb5: {  	_ =	swait.ge [sflag:s13], $0x2800  }
0xb6: {  	[sflag:s13] =	ssyncset.done $0x0  }
0xb7: {  	s18 =	simm.s32 $0x26C0;
	[sflag:s13] =	ssyncadd.s32 $0xFFFFD800  }
0xb8: {  	[tilespmem:s28], [sflag:$0x1] =	stream.indirect.gather [hbm4b:s0+s26], $0x80, s18, s26, $0xb8;
	[tilespmem:$0x1DA00] =	vst v63  }
0xb9: {  	s19 =	rddreg [dreg:$0xe]  }
0xba: {  	[tilespmem:s29], [sflag:$0x7] =	stream.linear.gather [hbm4b:s19+s3], $0x80, $0x38;
	[tilespmem:$0x1DA00] =	vst v63  }
0xbb: {  	_ =	swait.ge [sflag:s5], $0x2800  }
0xbc: {  	[sflag:s5] =	ssyncset.done $0x0  }
0xbd: {  	[sflag:s5] =	ssyncadd.s32 $0xFFFFD800  }
0xbe: {  	_ =	swait.ge [sflag:s8], $0x80  }
0xbf: {  	[sflag:s8] =	ssyncset.done $0x0  }
0xc0: {  	[sflag:s8] =	ssyncadd.s32 $0xFFFFFF80  }
0xc1: {  	[spmem:s2] =	stream.indirect.scatter.add.f32 [tilespmem:s28], [sflag:$0x4], $0x80, s29, s26, $0xb8;
	[tilespmem:$0x1DA00] =	vst v63  }
0xc2: {  	_ =	swait.ge [sflag:s13], $0x2800  }
0xc3: {  	[sflag:s13] =	ssyncset.done $0x0  }
0xc4: {  	[sflag:s13] =	ssyncadd.s32 $0xFFFFD800  }
0xc5: {  	[bflag:$0x0] =	sbarrier.arrive $0xFFFF  }
0xc6: {  	s21 =	rddreg [dreg:$0x6]  }
0xc7: {  	s7 =	rddreg [dreg:$0xf];
	s1 =	sor.u32 $0x1C0B, s21  }
0xc8: {  	[hbm:s7], [sflag:s1] =	dma.local [spmem:s23], $0x2700  }
0xc9: {  	_ =	swait.ge [sflag:s25], $0x2700  }
0xca: {  	[sflag:s25] =	ssyncset.done $0x0;
	s7 =	rddreg [dreg:$0x10]  }
0xcb: {  	s21 =	rddreg [dreg:$0x12];
	[sflag:s25] =	ssyncadd.s32 $0xFFFFD900  }
0xcc: {  	[hbm:s7], [sflag:s1] =	dma.local @!p0 [spmem:s21], $0x100  }
0xcd: {  	s1 =	simm.s32 @!p0 $0xB  }
0xce: {  	_ =	swait.ge @!p0 [sflag:s1], $0x100  }
0xcf: {  	s16 =	sadd.s32 $0x1, s16;
	s10 =	smov.u32 s23;
	s23 =	rddreg [dreg:$0x11]  }
0xd0: {  	p1 =	sne.s32 s16, s23  }
.Ltmp1:
0xd1: {  	_ = 	snop;
	(pc) =	sbr.rel @p1 .LBB2_1-.Ltmp1, $3  }
0xd2: {  	_ =	sdelay $0x1  }
0xd3: {  	[sflag:s1] =	ssyncset.done @!p0 $0x0  }
0xd4: {  	[sflag:s1] =	ssyncadd.s32 @!p0 $0xFFFFFF00  }
0xd5: {  	_ =	sfence.sel $0x180000  }
0xd6: {  	[bflag:$0x0] =	sbarrier.arrive $0xFFFF  }
0xd7: {  	_ =	strace $0x90000047  }
0xd8: {  	[bflag:$0x2] =	sbarrier.arrive $0xFFFF  }
0xd9: {  	s0 =	rddreg [dreg:$0x4]  }
0xda: {  	s0 =	sadd.s32 @!p0 $0x100000, s0  }
0xdb: {  	[sflag:s0] =	ssyncadd.tile.s32 @!p0 $0x1;
	_ =	shalt  }
.Lfunc_end2:
_tile_overlayer_lowered:
.L_overlay_start_2:
0xdc: {  	(tag) =	ssettag $0x2  }
0xdd: {  	s0 =	rddreg [dreg:$0x0];
	s2 =	stileid.u32  }
0xde: {  	s1 =	rddreg [dreg:$0x1];
	p0 =	sne.s32 s2, $0x0  }
0xdf: {  	s3 =	rddreg [dreg:$0x2];
	[bflag:$0x3] =	sbarrier.arrive $0xFFFF;
	s2 =	simm.s32 @!p0 $0x1C0B  }
0xe0: {  	[timem:s3], [sflag:s2] =	dma.local @!p0 [hbm:s0], s1  }
0xe1: {  	s0 =	simm.s32 @!p0 $0xB  }
0xe2: {  	_ =	swait.ge @!p0 [sflag:s0], s1  }
0xe3: {  	s1 =	ssub.s32 @!p0 $0x0, s1;
	[sflag:s0] =	ssyncset.done @!p0 $0x0  }
0xe4: {  	[sflag:s0] =	ssyncadd.s32 @!p0 s1  }
0xe5: {  	[bflag:$0x3] =	sbarrier.arrive $0xFFFF  }
0xe6: {  	_ =	shalt  }

</sc_bundles>
